<compile_context>
chip_gen: v7x
topology: tpu7x:2x2x1
jax: 0.10.2.dev20260603
libtpu: 0.0.44.dev20260713+nightly
codegen_flags: <defaults>
</compile_context>

<pallas_src>
import functools

import jax
import jax.numpy as jnp
from jax import lax
from jax.experimental import pallas as pl
from jax.experimental.pallas import tpu as pltpu
from jax.experimental.pallas import tpu_sc as plsc

B, F = 128, 32768
N = B * F
TOTAL_K = 8192
NW = 32
CH_R = 8
CH_C = F // 2
NCH = CH_R
LANES = 16

_mesh = plsc.VectorSubcoreMesh(
    core_axis_name="c", subcore_axis_name="s", num_cores=2, num_subcores=16
)
_sc_params = pltpu.CompilerParams(
    needs_layout_passes=False, use_tc_tiling_on_sc=True
)


def _key_i32(u):
    return u ^ ((u >> 31) & jnp.int32(0x7FFFFFFF))


def _make_sc_hist(shift, nbins, bias, mshift, masked):
    hist_words = nbins * LANES
    sh = shift - 4
    mask4 = (nbins - 1) << 4
    bias4 = bias << 4

    def body(*refs):
        if masked:
            x_hbm, p_hbm, out_hbm, hist_v, buf_a, buf_b, p_v, sem_a, sem_b = refs
        else:
            x_hbm, out_hbm, hist_v, buf_a, buf_b, p_v, sem_a, sem_b = refs
        wid = lax.axis_index("c") * 16 + lax.axis_index("s")
        row0 = (wid >> 1) * CH_R
        col0 = (wid & 1) * CH_C

        zeros16 = jnp.zeros((LANES,), jnp.int32)

        @plsc.parallel_loop(0, hist_words, LANES, unroll=8)
        def _zero(i):
            hist_v[pl.ds(i, LANES)] = zeros16

        if masked:
            pltpu.sync_copy(p_hbm.at[0], p_v)
            mt = p_v[pl.ds(0, LANES)]
        else:
            mt = None

        lane = lax.iota(jnp.int32, LANES)
        ones16 = jnp.ones((LANES,), jnp.int32)

        def chunk_slice(c):
            return x_hbm.at[row0 + c, pl.ds(col0, CH_C)]

        def compute(buf):
            @plsc.parallel_loop(0, CH_C, LANES, unroll=8)
            def _vec(i):
                v = buf[pl.ds(i, LANES)]
                u = lax.bitcast_convert_type(v, jnp.int32)
                key = _key_i32(u)
                if sh >= 0:
                    bin4 = ((key >> sh) + bias4) & mask4
                else:
                    bin4 = ((key << (-sh)) + bias4) & mask4
                idx = bin4 | lane
                if masked:
                    keep = (key >> mshift) == mt
                    plsc.addupdate_scatter(hist_v, [idx], ones16, mask=keep)
                else:
                    plsc.addupdate_scatter(hist_v, [idx], ones16)

        pltpu.async_copy(chunk_slice(0), buf_a, sem_a)

        @pl.loop(0, NCH, step=2)
        def _chunks(c):
            pltpu.make_async_copy(chunk_slice(c), buf_a, sem_a).wait()
            pltpu.async_copy(chunk_slice(c + 1), buf_b, sem_b)
            compute(buf_a)
            pltpu.make_async_copy(chunk_slice(c + 1), buf_b, sem_b).wait()

            @pl.when(c + 2 < NCH)
            def _prefetch():
                pltpu.async_copy(chunk_slice(c + 2), buf_a, sem_a)

            compute(buf_b)

        pltpu.sync_copy(hist_v, out_hbm.at[wid])

    scratch = [
        pltpu.VMEM((hist_words,), jnp.int32),
        pltpu.VMEM((CH_C,), jnp.float32),
        pltpu.VMEM((CH_C,), jnp.float32),
        pltpu.VMEM((128,), jnp.int32),
        pltpu.SemaphoreType.DMA,
        pltpu.SemaphoreType.DMA,
    ]
    return pl.kernel(
        body,
        out_type=jax.ShapeDtypeStruct((NW, hist_words), jnp.int32),
        mesh=_mesh,
        scratch_types=scratch,
        compiler_params=_sc_params,
    )


_sc_pass1 = _make_sc_hist(shift=21, nbins=2048, bias=1024, mshift=0, masked=False)
_sc_pass2 = _make_sc_hist(shift=10, nbins=2048, bias=0, mshift=21, masked=True)
_sc_pass3 = _make_sc_hist(shift=0, nbins=1024, bias=0, mshift=10, masked=True)


def _make_tc_scan(stage, nbins):
    hist_words = nbins * LANES

    def body(hist_ref, *rest):
        if stage == 1:
            (out_ref,) = rest
            need = jnp.int32(TOTAL_K)
        else:
            prev_ref, out_ref = rest
            need = prev_ref[0, 16]

        w = jnp.sum(hist_ref[...], axis=0, keepdims=True)
        word_bin = lax.broadcasted_iota(jnp.int32, (1, hist_words), 1) >> 4

        def suffix(bb):
            return jnp.sum(jnp.where(word_bin >= bb, w, 0))

        def step(_, carry):
            lo, hi = carry
            mid = (lo + hi) // 2
            go = suffix(mid) >= need
            return (jnp.where(go, mid, lo), jnp.where(go, hi, mid))

        lo, _hi = lax.fori_loop(0, 12, step, (jnp.int32(0), jnp.int32(nbins)))
        bstar = lo
        g = suffix(bstar + 1)
        r = need - g
        cnt_b = suffix(bstar) - g

        if stage == 1:
            v0 = bstar - jnp.int32(1024)
            v1 = r
            v2 = jnp.int32(0)
        elif stage == 2:
            prev_t = prev_ref[0, 0]
            v0 = prev_t * jnp.int32(2048) + bstar
            v1 = r
            v2 = jnp.int32(0)
        else:
            prev_t = prev_ref[0, 0]
            v0 = prev_t * jnp.int32(1024) + bstar
            v1 = r
            v2 = (r < cnt_b).astype(jnp.int32)

        iota_o = lax.broadcasted_iota(jnp.int32, (1, 128), 1)
        out_ref[...] = (
            jnp.where(iota_o < 16, v0, 0)
            + jnp.where(iota_o == 16, v1, 0)
            + jnp.where(iota_o == 17, v2, 0)
        )

    in_specs = [pl.BlockSpec((NW, hist_words), lambda: (0, 0))]
    if stage != 1:
        in_specs.append(
            pl.BlockSpec((1, 128), lambda: (0, 0), memory_space=pltpu.SMEM)
        )
    return pl.pallas_call(
        body,
        grid=(),
        in_specs=in_specs,
        out_specs=pl.BlockSpec((1, 128), lambda: (0, 0)),
        out_shape=jax.ShapeDtypeStruct((1, 128), jnp.int32),
    )


_tc_scan1 = _make_tc_scan(1, 2048)
_tc_scan2 = _make_tc_scan(2, 2048)
_tc_scan3 = _make_tc_scan(3, 1024)

_ROWS_PER_BLK = 8
_NBLK = B // _ROWS_PER_BLK


def _cumsum_lanes(x):
    acc = x
    lane = lax.broadcasted_iota(jnp.int32, x.shape, 1)
    s = 1
    while s < x.shape[1]:
        acc = acc + jnp.where(lane >= s, pltpu.roll(acc, s, 1), 0)
        s *= 2
    return acc


def _cumsum_sublanes_excl(x):
    acc = x
    sub = lax.broadcasted_iota(jnp.int32, x.shape, 0)
    s = 1
    while s < x.shape[0]:
        acc = acc + jnp.where(sub >= s, pltpu.roll(acc, s, 0), 0)
        s *= 2
    return acc - x


def _tc_out_body(x_ref, p_ref, o_ref, carry_ref):
    pid = pl.program_id(0)
    t_key = p_ref[0, 0]
    t_cnt = p_ref[0, 16]
    tie = p_ref[0, 17]

    @pl.when(pid == 0)
    def _init():
        carry_ref[0] = 0

    xv = x_ref[...]
    u = lax.bitcast_convert_type(xv, jnp.int32)
    key = _key_i32(u)

    @pl.when(tie == 0)
    def _fast():
        o_ref[...] = jnp.where(key >= t_key, xv, 0.0)

    @pl.when(tie != 0)
    def _tiebreak():
        eq = (key == t_key).astype(jnp.int32)
        cs = _cumsum_lanes(eq)
        row_tot = cs[:, F - 1 : F]
        row_off = _cumsum_sublanes_excl(row_tot)
        rank = cs - eq + row_off + carry_ref[0]
        keep = (key > t_key) | ((eq == 1) & (rank < t_cnt))
        o_ref[...] = jnp.where(keep, xv, 0.0)
        carry_ref[0] = carry_ref[0] + jnp.sum(eq)


_tc_out = pl.pallas_call(
    _tc_out_body,
    grid=(_NBLK,),
    in_specs=[
        pl.BlockSpec((_ROWS_PER_BLK, F), lambda i: (i, 0)),
        pl.BlockSpec((1, 128), lambda i: (0, 0), memory_space=pltpu.SMEM),
    ],
    out_specs=pl.BlockSpec((_ROWS_PER_BLK, F), lambda i: (i, 0)),
    out_shape=jax.ShapeDtypeStruct((B, F), jnp.float32),
    scratch_shapes=[pltpu.SMEM((1,), jnp.int32)],
)


def kernel(x):
    h1 = _sc_pass1(x)
    p1 = _tc_scan1(h1)
    h2 = _sc_pass2(x, p1)
    p2 = _tc_scan2(h2, p1)
    h3 = _sc_pass3(x, p2)
    p3 = _tc_scan3(h3, p2)
    return _tc_out(x, p3)

# --- scband reference (transcript-rebuilt; emitter-appended) ---
"""Pipeline reference for scband-batch-top-k-87110526698107 (READ-ONLY COPY).

The authoritative reference and input builder live on the scoring server;
editing this copy changes nothing except your own understanding.
"""

import jax, jax.numpy as jnp
import numpy as np

K = 64

def setup_inputs(seed: int = 0) -> dict:
    key = jax.random.key(seed)
    x = jax.random.normal(key, (128, 32768), dtype=jnp.float32)
    return {"x": x}

def reference(x):
    # BatchTopK.forward: select top (k * batch_size) values across the entire
    # flattened batch; act_fn is Identity, use_abs is False.
    batch_size = x.shape[0]
    total_k = min(K * batch_size, x.size)
    flat_x = x.reshape(-1)
    # selection values == flat_x since use_abs=False
    _, indices = jax.lax.top_k(flat_x, total_k)
    activated_values = flat_x[indices]  # Identity act_fn
    flat_result = jnp.zeros_like(flat_x).at[indices].set(activated_values)
    result = flat_result.reshape(x.shape)
    return result

if __name__ == "__main__":
    import jax
    _d = setup_inputs()
    print(jax.jit(kernel)(*tuple(_d.values())))

</pallas_src>

<mosaic_0001>
#map = affine_map<(d0, d1) -> (0, 0)>
module attributes {stable_mosaic.version = 14 : i64} {
  func.func @body(%arg0: i32, %arg1: i32, %arg2: memref<128x32768xf32, #tpu.memory_space<hbm>>, %arg3: memref<32x32768xi32, #tpu.memory_space<hbm>>, %arg4: memref<32768xi32, #tpu.memory_space<vmem>>, %arg5: memref<16384xf32, #tpu.memory_space<vmem>>, %arg6: memref<16384xf32, #tpu.memory_space<vmem>>, %arg7: memref<128xi32, #tpu.memory_space<vmem>>, %arg8: memref<!tpu.dma_semaphore, #tpu.memory_space<semaphore_mem>>, %arg9: memref<!tpu.dma_semaphore, #tpu.memory_space<semaphore_mem>>) attributes {dimension_semantics = [#tpu.dimension_semantics<core_parallel>, #tpu.dimension_semantics<subcore_parallel>], iteration_bounds = array<i64: 2, 16>, scalar_prefetch = 0 : i64, scratch_operands = 6 : i64, tpu.core_type = #tpu.core_type<sc_vector_subcore>, window_params = [{transform_indices = #map}, {transform_indices = #map}]} {
    %mul3A = arith.constant 16 : i32
    %mul3A_0 = arith.muli %arg0, %mul3A : i32
    %add3A = arith.addi %mul3A_0, %arg1 : i32
    %shift_right_arithmetic3A = arith.constant 1 : i32
    %shift_right_arithmetic3A_1 = arith.shrsi %add3A, %shift_right_arithmetic3A : i32
    %mul3A_2 = arith.constant 8 : i32
    %mul3A_3 = arith.muli %shift_right_arithmetic3A_1, %mul3A_2 : i32
    %and3A = arith.constant 1 : i32
    %and3A_4 = arith.andi %add3A, %and3A : i32
    %mul3A_5 = arith.constant 16384 : i32
    %mul3A_6 = arith.muli %and3A_4, %mul3A_5 : i32
    %broadcast_in_dim3A = arith.constant 0 : i32
    %broadcast_in_dim3A_7 = vector.broadcast %broadcast_in_dim3A : i32 to vector<16xi32>
    %parallel_loop3A = arith.constant 0 : i32
    %parallel_loop3A_8 = arith.constant 32768 : i32
    %parallel_loop3A_9 = arith.constant 16 : i32
    scf.for %parallel_loop3A_21 = %parallel_loop3A to %parallel_loop3A_8 step %parallel_loop3A_9  : i32 {
      %parallel_loop3A_22 = arith.index_cast %parallel_loop3A_21 : i32 to index
      %parallel_loop3A_23 = tpu.vector_load %arg4[%parallel_loop3A_22] {strides = array<i32>} : memref<32768xi32, #tpu.memory_space<vmem>>, vector<16xi32>,
      tpu.vector_store %arg4[%parallel_loop3A_22], %broadcast_in_dim3A_7 {strides = array<i32>} : memref<32768xi32, #tpu.memory_space<vmem>>, vector<16xi32>,
    } {sc.loop_unroll_factor = 8 : i64, sc.parallel_access}
    %iota3A = tpu.iota {dimensions = array<i32: 0>} : vector<16xi32>
    %broadcast_in_dim3A_10 = arith.constant 1 : i32
    %broadcast_in_dim3A_11 = vector.broadcast %broadcast_in_dim3A_10 : i32 to vector<16xi32>
    %add3A_12 = arith.constant 0 : i32
    %add3A_13 = arith.addi %mul3A_3, %add3A_12 : i32
    %dma_start3A = tpu.memref_slice %arg2[%add3A_13, %mul3A_6] : memref<128x32768xf32, #tpu.memory_space<hbm>> -> memref<1x16384xf32, #tpu.memory_space<hbm>>
    %dma_start3A_14 = tpu.memref_squeeze %dma_start3A : memref<1x16384xf32, #tpu.memory_space<hbm>> -> memref<16384xf32, #tpu.memory_space<hbm>>
    %dma_start3A_15 = tpu.memref_slice %arg2[%add3A_13, %mul3A_6] : memref<128x32768xf32, #tpu.memory_space<hbm>> -> memref<1x16384xf32, #tpu.memory_space<hbm>>
    %dma_start3A_16 = tpu.memref_squeeze %dma_start3A_15 : memref<1x16384xf32, #tpu.memory_space<hbm>> -> memref<16384xf32, #tpu.memory_space<hbm>>
    tpu.enqueue_dma source(%dma_start3A_16 : memref<16384xf32, #tpu.memory_space<hbm>>) target(%arg5 : memref<16384xf32, #tpu.memory_space<vmem>>) target_semaphore(%arg8 : memref<!tpu.dma_semaphore, #tpu.memory_space<semaphore_mem>>)
    %scan3A = arith.constant 0 : i32
    %scan3A_17 = arith.constant 4 : i32
    %scan3A_18 = arith.addi %scan3A, %scan3A_17 : i32
    %scan3A_19 = arith.constant 1 : i32
    scf.for %scan3A_21 = %scan3A to %scan3A_18 step %scan3A_19  : i32 {
      %mul3A_22 = arith.constant 2 : i32
      %mul3A_23 = arith.muli %scan3A_21, %mul3A_22 : i32
      %add3A_24 = arith.constant 0 : i32
      %add3A_25 = arith.addi %add3A_24, %mul3A_23 : i32
      %add3A_26 = arith.addi %mul3A_3, %add3A_25 : i32
      %dma_wait3A = tpu.memref_slice %arg2[%add3A_26, %mul3A_6] : memref<128x32768xf32, #tpu.memory_space<hbm>> -> memref<1x16384xf32, #tpu.memory_space<hbm>>
      %dma_wait3A_27 = tpu.memref_squeeze %dma_wait3A : memref<1x16384xf32, #tpu.memory_space<hbm>> -> memref<16384xf32, #tpu.memory_space<hbm>>
      %dma_wait3A_28 = tpu.memref_slice %arg2[%add3A_26, %mul3A_6] : memref<128x32768xf32, #tpu.memory_space<hbm>> -> memref<1x16384xf32, #tpu.memory_space<hbm>>
      %dma_wait3A_29 = tpu.memref_squeeze %dma_wait3A_28 : memref<1x16384xf32, #tpu.memory_space<hbm>> -> memref<16384xf32, #tpu.memory_space<hbm>>
      tpu.wait_dma2 semaphore(%arg8 : memref<!tpu.dma_semaphore, #tpu.memory_space<semaphore_mem>>) src(%dma_wait3A_29 : memref<16384xf32, #tpu.memory_space<hbm>>) dst(%arg5 : memref<16384xf32, #tpu.memory_space<vmem>>)
      %add3A_30 = arith.constant 1 : i32
      %add3A_31 = arith.addi %add3A_25, %add3A_30 : i32
      %add3A_32 = arith.addi %mul3A_3, %add3A_31 : i32
      %dma_start3A_33 = tpu.memref_slice %arg2[%add3A_32, %mul3A_6] : memref<128x32768xf32, #tpu.memory_space<hbm>> -> memref<1x16384xf32, #tpu.memory_space<hbm>>
      %dma_start3A_34 = tpu.memref_squeeze %dma_start3A_33 : memref<1x16384xf32, #tpu.memory_space<hbm>> -> memref<16384xf32, #tpu.memory_space<hbm>>
      %dma_start3A_35 = tpu.memref_slice %arg2[%add3A_32, %mul3A_6] : memref<128x32768xf32, #tpu.memory_space<hbm>> -> memref<1x16384xf32, #tpu.memory_space<hbm>>
      %dma_start3A_36 = tpu.memref_squeeze %dma_start3A_35 : memref<1x16384xf32, #tpu.memory_space<hbm>> -> memref<16384xf32, #tpu.memory_space<hbm>>
      tpu.enqueue_dma source(%dma_start3A_36 : memref<16384xf32, #tpu.memory_space<hbm>>) target(%arg6 : memref<16384xf32, #tpu.memory_space<vmem>>) target_semaphore(%arg9 : memref<!tpu.dma_semaphore, #tpu.memory_space<semaphore_mem>>)
      %parallel_loop3A_37 = arith.constant 0 : i32
      %parallel_loop3A_38 = arith.constant 16384 : i32
      %parallel_loop3A_39 = arith.constant 16 : i32
      scf.for %parallel_loop3A_54 = %parallel_loop3A_37 to %parallel_loop3A_38 step %parallel_loop3A_39  : i32 {
        %parallel_loop3A_55 = arith.index_cast %parallel_loop3A_54 : i32 to index
        %parallel_loop3A_56 = tpu.vector_load %arg5[%parallel_loop3A_55] {strides = array<i32>} : memref<16384xf32, #tpu.memory_space<vmem>>, vector<16xf32>,
        %parallel_loop3A_57 = tpu.bitcast %parallel_loop3A_56 : vector<16xf32> -> vector<16xi32>
        %parallel_loop3A_58 = arith.constant 31 : i32
        %parallel_loop3A_59 = vector.broadcast %parallel_loop3A_58 : i32 to vector<16xi32>
        %parallel_loop3A_60 = arith.shrsi %parallel_loop3A_57, %parallel_loop3A_59 : vector<16xi32>
        %parallel_loop3A_61 = arith.constant 2147483647 : i32
        %parallel_loop3A_62 = vector.broadcast %parallel_loop3A_61 : i32 to vector<16xi32>
        %parallel_loop3A_63 = arith.andi %parallel_loop3A_60, %parallel_loop3A_62 : vector<16xi32>
        %parallel_loop3A_64 = arith.xori %parallel_loop3A_57, %parallel_loop3A_63 : vector<16xi32>
        %parallel_loop3A_65 = arith.constant 17 : i32
        %parallel_loop3A_66 = vector.broadcast %parallel_loop3A_65 : i32 to vector<16xi32>
        %parallel_loop3A_67 = arith.shrsi %parallel_loop3A_64, %parallel_loop3A_66 : vector<16xi32>
        %parallel_loop3A_68 = arith.constant 16384 : i32
        %parallel_loop3A_69 = vector.broadcast %parallel_loop3A_68 : i32 to vector<16xi32>
        %parallel_loop3A_70 = arith.addi %parallel_loop3A_67, %parallel_loop3A_69 : vector<16xi32>
        %parallel_loop3A_71 = arith.constant 32752 : i32
        %parallel_loop3A_72 = vector.broadcast %parallel_loop3A_71 : i32 to vector<16xi32>
        %parallel_loop3A_73 = arith.andi %parallel_loop3A_70, %parallel_loop3A_72 : vector<16xi32>
        %parallel_loop3A_74 = arith.ori %parallel_loop3A_73, %iota3A : vector<16xi32>
        tpu.vector_store_idx %arg4[%parallel_loop3A_74], %broadcast_in_dim3A_11 {add = true} : memref<32768xi32, #tpu.memory_space<vmem>>[vector<16xi32>], vector<16xi32>,
      } {sc.loop_unroll_factor = 8 : i64, sc.parallel_access}
      %add3A_40 = arith.constant 1 : i32
      %add3A_41 = arith.addi %add3A_25, %add3A_40 : i32
      %add3A_42 = arith.addi %mul3A_3, %add3A_41 : i32
      %dma_wait3A_43 = tpu.memref_slice %arg2[%add3A_42, %mul3A_6] : memref<128x32768xf32, #tpu.memory_space<hbm>> -> memref<1x16384xf32, #tpu.memory_space<hbm>>
      %dma_wait3A_44 = tpu.memref_squeeze %dma_wait3A_43 : memref<1x16384xf32, #tpu.memory_space<hbm>> -> memref<16384xf32, #tpu.memory_space<hbm>>
      %dma_wait3A_45 = tpu.memref_slice %arg2[%add3A_42, %mul3A_6] : memref<128x32768xf32, #tpu.memory_space<hbm>> -> memref<1x16384xf32, #tpu.memory_space<hbm>>
      %dma_wait3A_46 = tpu.memref_squeeze %dma_wait3A_45 : memref<1x16384xf32, #tpu.memory_space<hbm>> -> memref<16384xf32, #tpu.memory_space<hbm>>
      tpu.wait_dma2 semaphore(%arg9 : memref<!tpu.dma_semaphore, #tpu.memory_space<semaphore_mem>>) src(%dma_wait3A_46 : memref<16384xf32, #tpu.memory_space<hbm>>) dst(%arg6 : memref<16384xf32, #tpu.memory_space<vmem>>)
      %add3A_47 = arith.constant 2 : i32
      %add3A_48 = arith.addi %add3A_25, %add3A_47 : i32
      %lt3A = arith.constant 8 : i32
      %lt3A_49 = arith.cmpi slt, %add3A_48, %lt3A : i32
      %convert_element_type3A = arith.extui %lt3A_49 : i1 to i32
      %cond3A = arith.constant 0 : i32
      %cond3A_50 = arith.cmpi ne, %convert_element_type3A, %cond3A : i32
      scf.if %cond3A_50 {
        %add3A_54 = arith.constant 2 : i32
        %add3A_55 = arith.addi %add3A_25, %add3A_54 : i32
        %add3A_56 = arith.addi %mul3A_3, %add3A_55 : i32
        %dma_start3A_57 = tpu.memref_slice %arg2[%add3A_56, %mul3A_6] : memref<128x32768xf32, #tpu.memory_space<hbm>> -> memref<1x16384xf32, #tpu.memory_space<hbm>>
        %dma_start3A_58 = tpu.memref_squeeze %dma_start3A_57 : memref<1x16384xf32, #tpu.memory_space<hbm>> -> memref<16384xf32, #tpu.memory_space<hbm>>
        %dma_start3A_59 = tpu.memref_slice %arg2[%add3A_56, %mul3A_6] : memref<128x32768xf32, #tpu.memory_space<hbm>> -> memref<1x16384xf32, #tpu.memory_space<hbm>>
        %dma_start3A_60 = tpu.memref_squeeze %dma_start3A_59 : memref<1x16384xf32, #tpu.memory_space<hbm>> -> memref<16384xf32, #tpu.memory_space<hbm>>
        tpu.enqueue_dma source(%dma_start3A_60 : memref<16384xf32, #tpu.memory_space<hbm>>) target(%arg5 : memref<16384xf32, #tpu.memory_space<vmem>>) target_semaphore(%arg8 : memref<!tpu.dma_semaphore, #tpu.memory_space<semaphore_mem>>)
      } else {
      }
      %parallel_loop3A_51 = arith.constant 0 : i32
      %parallel_loop3A_52 = arith.constant 16384 : i32
      %parallel_loop3A_53 = arith.constant 16 : i32
      scf.for %parallel_loop3A_54 = %parallel_loop3A_51 to %parallel_loop3A_52 step %parallel_loop3A_53  : i32 {
        %parallel_loop3A_55 = arith.index_cast %parallel_loop3A_54 : i32 to index
        %parallel_loop3A_56 = tpu.vector_load %arg6[%parallel_loop3A_55] {strides = array<i32>} : memref<16384xf32, #tpu.memory_space<vmem>>, vector<16xf32>,
        %parallel_loop3A_57 = tpu.bitcast %parallel_loop3A_56 : vector<16xf32> -> vector<16xi32>
        %parallel_loop3A_58 = arith.constant 31 : i32
        %parallel_loop3A_59 = vector.broadcast %parallel_loop3A_58 : i32 to vector<16xi32>
        %parallel_loop3A_60 = arith.shrsi %parallel_loop3A_57, %parallel_loop3A_59 : vector<16xi32>
        %parallel_loop3A_61 = arith.constant 2147483647 : i32
        %parallel_loop3A_62 = vector.broadcast %parallel_loop3A_61 : i32 to vector<16xi32>
        %parallel_loop3A_63 = arith.andi %parallel_loop3A_60, %parallel_loop3A_62 : vector<16xi32>
        %parallel_loop3A_64 = arith.xori %parallel_loop3A_57, %parallel_loop3A_63 : vector<16xi32>
        %parallel_loop3A_65 = arith.constant 17 : i32
        %parallel_loop3A_66 = vector.broadcast %parallel_loop3A_65 : i32 to vector<16xi32>
        %parallel_loop3A_67 = arith.shrsi %parallel_loop3A_64, %parallel_loop3A_66 : vector<16xi32>
        %parallel_loop3A_68 = arith.constant 16384 : i32
        %parallel_loop3A_69 = vector.broadcast %parallel_loop3A_68 : i32 to vector<16xi32>
        %parallel_loop3A_70 = arith.addi %parallel_loop3A_67, %parallel_loop3A_69 : vector<16xi32>
        %parallel_loop3A_71 = arith.constant 32752 : i32
        %parallel_loop3A_72 = vector.broadcast %parallel_loop3A_71 : i32 to vector<16xi32>
        %parallel_loop3A_73 = arith.andi %parallel_loop3A_70, %parallel_loop3A_72 : vector<16xi32>
        %parallel_loop3A_74 = arith.ori %parallel_loop3A_73, %iota3A : vector<16xi32>
        tpu.vector_store_idx %arg4[%parallel_loop3A_74], %broadcast_in_dim3A_11 {add = true} : memref<32768xi32, #tpu.memory_space<vmem>>[vector<16xi32>], vector<16xi32>,
      } {sc.loop_unroll_factor = 8 : i64, sc.parallel_access}
    }
    %scan3A_20 = arith.constant 4 : i32
    "tpu.region"() ({
      %run_scoped3A = tpu.sem_alloc : memref<!tpu.dma_semaphore, #tpu.memory_space<semaphore_mem>>
      %dma_start3A_21 = arith.constant 0 : i32
      %dma_start3A_22 = tpu.memref_slice %arg3[%add3A, %dma_start3A_21] : memref<32x32768xi32, #tpu.memory_space<hbm>> -> memref<1x32768xi32, #tpu.memory_space<hbm>>
      %dma_start3A_23 = tpu.memref_squeeze %dma_start3A_22 : memref<1x32768xi32, #tpu.memory_space<hbm>> -> memref<32768xi32, #tpu.memory_space<hbm>>
      %dma_start3A_24 = arith.constant 0 : i32
      %dma_start3A_25 = tpu.memref_slice %arg3[%add3A, %dma_start3A_24] : memref<32x32768xi32, #tpu.memory_space<hbm>> -> memref<1x32768xi32, #tpu.memory_space<hbm>>
      %dma_start3A_26 = tpu.memref_squeeze %dma_start3A_25 : memref<1x32768xi32, #tpu.memory_space<hbm>> -> memref<32768xi32, #tpu.memory_space<hbm>>
      tpu.enqueue_dma source(%arg4 : memref<32768xi32, #tpu.memory_space<vmem>>) target(%dma_start3A_26 : memref<32768xi32, #tpu.memory_space<hbm>>) target_semaphore(%run_scoped3A : memref<!tpu.dma_semaphore, #tpu.memory_space<semaphore_mem>>)
      %dma_wait3A = arith.constant 0 : i32
      %dma_wait3A_27 = tpu.memref_slice %arg3[%add3A, %dma_wait3A] : memref<32x32768xi32, #tpu.memory_space<hbm>> -> memref<1x32768xi32, #tpu.memory_space<hbm>>
      %dma_wait3A_28 = tpu.memref_squeeze %dma_wait3A_27 : memref<1x32768xi32, #tpu.memory_space<hbm>> -> memref<32768xi32, #tpu.memory_space<hbm>>
      %dma_wait3A_29 = arith.constant 0 : i32
      %dma_wait3A_30 = tpu.memref_slice %arg3[%add3A, %dma_wait3A_29] : memref<32x32768xi32, #tpu.memory_space<hbm>> -> memref<1x32768xi32, #tpu.memory_space<hbm>>
      %dma_wait3A_31 = tpu.memref_squeeze %dma_wait3A_30 : memref<1x32768xi32, #tpu.memory_space<hbm>> -> memref<32768xi32, #tpu.memory_space<hbm>>
      tpu.wait_dma2 semaphore(%run_scoped3A : memref<!tpu.dma_semaphore, #tpu.memory_space<semaphore_mem>>) src(%arg4 : memref<32768xi32, #tpu.memory_space<vmem>>) dst(%dma_wait3A_31 : memref<32768xi32, #tpu.memory_space<hbm>>)
      tpu.yield
    }) : () -> ()
    return
  }
}

#map = affine_map<(d0, d1) -> (0, 0)>
module attributes {stable_mosaic.version = 14 : i64} {
  func.func @body(%arg0: i32, %arg1: i32, %arg2: memref<128x32768xf32, #tpu.memory_space<hbm>>, %arg3: memref<1x128xi32, #tpu.memory_space<hbm>>, %arg4: memref<32x16384xi32, #tpu.memory_space<hbm>>, %arg5: memref<16384xi32, #tpu.memory_space<vmem>>, %arg6: memref<16384xf32, #tpu.memory_space<vmem>>, %arg7: memref<16384xf32, #tpu.memory_space<vmem>>, %arg8: memref<128xi32, #tpu.memory_space<vmem>>, %arg9: memref<!tpu.dma_semaphore, #tpu.memory_space<semaphore_mem>>, %arg10: memref<!tpu.dma_semaphore, #tpu.memory_space<semaphore_mem>>) attributes {dimension_semantics = [#tpu.dimension_semantics<core_parallel>, #tpu.dimension_semantics<subcore_parallel>], iteration_bounds = array<i64: 2, 16>, scalar_prefetch = 0 : i64, scratch_operands = 6 : i64, tpu.core_type = #tpu.core_type<sc_vector_subcore>, window_params = [{transform_indices = #map}, {transform_indices = #map}, {transform_indices = #map}]} {
    %mul3A = arith.constant 16 : i32
    %mul3A_0 = arith.muli %arg0, %mul3A : i32
    %add3A = arith.addi %mul3A_0, %arg1 : i32
    %shift_right_arithmetic3A = arith.constant 1 : i32
    %shift_right_arithmetic3A_1 = arith.shrsi %add3A, %shift_right_arithmetic3A : i32
    %mul3A_2 = arith.constant 8 : i32
    %mul3A_3 = arith.muli %shift_right_arithmetic3A_1, %mul3A_2 : i32
    %and3A = arith.constant 1 : i32
    %and3A_4 = arith.andi %add3A, %and3A : i32
    %mul3A_5 = arith.constant 16384 : i32
    %mul3A_6 = arith.muli %and3A_4, %mul3A_5 : i32
    %broadcast_in_dim3A = arith.constant 0 : i32
    %broadcast_in_dim3A_7 = vector.broadcast %broadcast_in_dim3A : i32 to vector<16xi32>
    %parallel_loop3A = arith.constant 0 : i32
    %parallel_loop3A_8 = arith.constant 16384 : i32
    %parallel_loop3A_9 = arith.constant 16 : i32
    scf.for %parallel_loop3A_22 = %parallel_loop3A to %parallel_loop3A_8 step %parallel_loop3A_9  : i32 {
      %parallel_loop3A_23 = arith.index_cast %parallel_loop3A_22 : i32 to index
      %parallel_loop3A_24 = tpu.vector_load %arg5[%parallel_loop3A_23] {strides = array<i32>} : memref<16384xi32, #tpu.memory_space<vmem>>, vector<16xi32>,
      tpu.vector_store %arg5[%parallel_loop3A_23], %broadcast_in_dim3A_7 {strides = array<i32>} : memref<16384xi32, #tpu.memory_space<vmem>>, vector<16xi32>,
    } {sc.loop_unroll_factor = 8 : i64, sc.parallel_access}
    %run_scoped3A = arith.constant 0 : i32
    "tpu.region"() ({
      %run_scoped3A_22 = tpu.sem_alloc : memref<!tpu.dma_semaphore, #tpu.memory_space<semaphore_mem>>
      %dma_start3A_23 = arith.constant 0 : i32
      %dma_start3A_24 = tpu.memref_slice %arg3[%run_scoped3A, %dma_start3A_23] : memref<1x128xi32, #tpu.memory_space<hbm>> -> memref<1x128xi32, #tpu.memory_space<hbm>>
      %dma_start3A_25 = tpu.memref_squeeze %dma_start3A_24 : memref<1x128xi32, #tpu.memory_space<hbm>> -> memref<128xi32, #tpu.memory_space<hbm>>
      %dma_start3A_26 = arith.constant 0 : i32
      %dma_start3A_27 = tpu.memref_slice %arg3[%run_scoped3A, %dma_start3A_26] : memref<1x128xi32, #tpu.memory_space<hbm>> -> memref<1x128xi32, #tpu.memory_space<hbm>>
      %dma_start3A_28 = tpu.memref_squeeze %dma_start3A_27 : memref<1x128xi32, #tpu.memory_space<hbm>> -> memref<128xi32, #tpu.memory_space<hbm>>
      tpu.enqueue_dma source(%dma_start3A_28 : memref<128xi32, #tpu.memory_space<hbm>>) target(%arg8 : memref<128xi32, #tpu.memory_space<vmem>>) target_semaphore(%run_scoped3A_22 : memref<!tpu.dma_semaphore, #tpu.memory_space<semaphore_mem>>)
      %dma_wait3A = arith.constant 0 : i32
      %dma_wait3A_29 = tpu.memref_slice %arg3[%run_scoped3A, %dma_wait3A] : memref<1x128xi32, #tpu.memory_space<hbm>> -> memref<1x128xi32, #tpu.memory_space<hbm>>
      %dma_wait3A_30 = tpu.memref_squeeze %dma_wait3A_29 : memref<1x128xi32, #tpu.memory_space<hbm>> -> memref<128xi32, #tpu.memory_space<hbm>>
      %dma_wait3A_31 = arith.constant 0 : i32
      %dma_wait3A_32 = tpu.memref_slice %arg3[%run_scoped3A, %dma_wait3A_31] : memref<1x128xi32, #tpu.memory_space<hbm>> -> memref<1x128xi32, #tpu.memory_space<hbm>>
      %dma_wait3A_33 = tpu.memref_squeeze %dma_wait3A_32 : memref<1x128xi32, #tpu.memory_space<hbm>> -> memref<128xi32, #tpu.memory_space<hbm>>
      tpu.wait_dma2 semaphore(%run_scoped3A_22 : memref<!tpu.dma_semaphore, #tpu.memory_space<semaphore_mem>>) src(%dma_wait3A_33 : memref<128xi32, #tpu.memory_space<hbm>>) dst(%arg8 : memref<128xi32, #tpu.memory_space<vmem>>)
      tpu.yield
    }) : () -> ()
    %get3A = arith.constant 0 : index
    %get3A_10 = tpu.vector_load %arg8[%get3A] {strides = array<i32>} : memref<128xi32, #tpu.memory_space<vmem>>, vector<16xi32>,
    %iota3A = tpu.iota {dimensions = array<i32: 0>} : vector<16xi32>
    %broadcast_in_dim3A_11 = arith.constant 1 : i32
    %broadcast_in_dim3A_12 = vector.broadcast %broadcast_in_dim3A_11 : i32 to vector<16xi32>
    %add3A_13 = arith.constant 0 : i32
    %add3A_14 = arith.addi %mul3A_3, %add3A_13 : i32
    %dma_start3A = tpu.memref_slice %arg2[%add3A_14, %mul3A_6] : memref<128x32768xf32, #tpu.memory_space<hbm>> -> memref<1x16384xf32, #tpu.memory_space<hbm>>
    %dma_start3A_15 = tpu.memref_squeeze %dma_start3A : memref<1x16384xf32, #tpu.memory_space<hbm>> -> memref<16384xf32, #tpu.memory_space<hbm>>
    %dma_start3A_16 = tpu.memref_slice %arg2[%add3A_14, %mul3A_6] : memref<128x32768xf32, #tpu.memory_space<hbm>> -> memref<1x16384xf32, #tpu.memory_space<hbm>>
    %dma_start3A_17 = tpu.memref_squeeze %dma_start3A_16 : memref<1x16384xf32, #tpu.memory_space<hbm>> -> memref<16384xf32, #tpu.memory_space<hbm>>
    tpu.enqueue_dma source(%dma_start3A_17 : memref<16384xf32, #tpu.memory_space<hbm>>) target(%arg6 : memref<16384xf32, #tpu.memory_space<vmem>>) target_semaphore(%arg9 : memref<!tpu.dma_semaphore, #tpu.memory_space<semaphore_mem>>)
    %scan3A = arith.constant 0 : i32
    %scan3A_18 = arith.constant 4 : i32
    %scan3A_19 = arith.addi %scan3A, %scan3A_18 : i32
    %scan3A_20 = arith.constant 1 : i32
    scf.for %scan3A_22 = %scan3A to %scan3A_19 step %scan3A_20  : i32 {
      %mul3A_23 = arith.constant 2 : i32
      %mul3A_24 = arith.muli %scan3A_22, %mul3A_23 : i32
      %add3A_25 = arith.constant 0 : i32
      %add3A_26 = arith.addi %add3A_25, %mul3A_24 : i32
      %add3A_27 = arith.addi %mul3A_3, %add3A_26 : i32
      %dma_wait3A = tpu.memref_slice %arg2[%add3A_27, %mul3A_6] : memref<128x32768xf32, #tpu.memory_space<hbm>> -> memref<1x16384xf32, #tpu.memory_space<hbm>>
      %dma_wait3A_28 = tpu.memref_squeeze %dma_wait3A : memref<1x16384xf32, #tpu.memory_space<hbm>> -> memref<16384xf32, #tpu.memory_space<hbm>>
      %dma_wait3A_29 = tpu.memref_slice %arg2[%add3A_27, %mul3A_6] : memref<128x32768xf32, #tpu.memory_space<hbm>> -> memref<1x16384xf32, #tpu.memory_space<hbm>>
      %dma_wait3A_30 = tpu.memref_squeeze %dma_wait3A_29 : memref<1x16384xf32, #tpu.memory_space<hbm>> -> memref<16384xf32, #tpu.memory_space<hbm>>
      tpu.wait_dma2 semaphore(%arg9 : memref<!tpu.dma_semaphore, #tpu.memory_space<semaphore_mem>>) src(%dma_wait3A_30 : memref<16384xf32, #tpu.memory_space<hbm>>) dst(%arg6 : memref<16384xf32, #tpu.memory_space<vmem>>)
      %add3A_31 = arith.constant 1 : i32
      %add3A_32 = arith.addi %add3A_26, %add3A_31 : i32
      %add3A_33 = arith.addi %mul3A_3, %add3A_32 : i32
      %dma_start3A_34 = tpu.memref_slice %arg2[%add3A_33, %mul3A_6] : memref<128x32768xf32, #tpu.memory_space<hbm>> -> memref<1x16384xf32, #tpu.memory_space<hbm>>
      %dma_start3A_35 = tpu.memref_squeeze %dma_start3A_34 : memref<1x16384xf32, #tpu.memory_space<hbm>> -> memref<16384xf32, #tpu.memory_space<hbm>>
      %dma_start3A_36 = tpu.memref_slice %arg2[%add3A_33, %mul3A_6] : memref<128x32768xf32, #tpu.memory_space<hbm>> -> memref<1x16384xf32, #tpu.memory_space<hbm>>
      %dma_start3A_37 = tpu.memref_squeeze %dma_start3A_36 : memref<1x16384xf32, #tpu.memory_space<hbm>> -> memref<16384xf32, #tpu.memory_space<hbm>>
      tpu.enqueue_dma source(%dma_start3A_37 : memref<16384xf32, #tpu.memory_space<hbm>>) target(%arg7 : memref<16384xf32, #tpu.memory_space<vmem>>) target_semaphore(%arg10 : memref<!tpu.dma_semaphore, #tpu.memory_space<semaphore_mem>>)
      %parallel_loop3A_38 = arith.constant 0 : i32
      %parallel_loop3A_39 = arith.constant 16384 : i32
      %parallel_loop3A_40 = arith.constant 16 : i32
      scf.for %parallel_loop3A_55 = %parallel_loop3A_38 to %parallel_loop3A_39 step %parallel_loop3A_40  : i32 {
        %parallel_loop3A_56 = arith.index_cast %parallel_loop3A_55 : i32 to index
        %parallel_loop3A_57 = tpu.vector_load %arg6[%parallel_loop3A_56] {strides = array<i32>} : memref<16384xf32, #tpu.memory_space<vmem>>, vector<16xf32>,
        %parallel_loop3A_58 = tpu.bitcast %parallel_loop3A_57 : vector<16xf32> -> vector<16xi32>
        %parallel_loop3A_59 = arith.constant 31 : i32
        %parallel_loop3A_60 = vector.broadcast %parallel_loop3A_59 : i32 to vector<16xi32>
        %parallel_loop3A_61 = arith.shrsi %parallel_loop3A_58, %parallel_loop3A_60 : vector<16xi32>
        %parallel_loop3A_62 = arith.constant 2147483647 : i32
        %parallel_loop3A_63 = vector.broadcast %parallel_loop3A_62 : i32 to vector<16xi32>
        %parallel_loop3A_64 = arith.andi %parallel_loop3A_61, %parallel_loop3A_63 : vector<16xi32>
        %parallel_loop3A_65 = arith.xori %parallel_loop3A_58, %parallel_loop3A_64 : vector<16xi32>
        %parallel_loop3A_66 = arith.constant 4 : i32
        %parallel_loop3A_67 = vector.broadcast %parallel_loop3A_66 : i32 to vector<16xi32>
        %parallel_loop3A_68 = arith.shli %parallel_loop3A_65, %parallel_loop3A_67 : vector<16xi32>
        %parallel_loop3A_69 = arith.constant 0 : i32
        %parallel_loop3A_70 = vector.broadcast %parallel_loop3A_69 : i32 to vector<16xi32>
        %parallel_loop3A_71 = arith.addi %parallel_loop3A_68, %parallel_loop3A_70 : vector<16xi32>
        %parallel_loop3A_72 = arith.constant 16368 : i32
        %parallel_loop3A_73 = vector.broadcast %parallel_loop3A_72 : i32 to vector<16xi32>
        %parallel_loop3A_74 = arith.andi %parallel_loop3A_71, %parallel_loop3A_73 : vector<16xi32>
        %parallel_loop3A_75 = arith.ori %parallel_loop3A_74, %iota3A : vector<16xi32>
        %parallel_loop3A_76 = arith.constant 10 : i32
        %parallel_loop3A_77 = vector.broadcast %parallel_loop3A_76 : i32 to vector<16xi32>
        %parallel_loop3A_78 = arith.shrsi %parallel_loop3A_65, %parallel_loop3A_77 : vector<16xi32>
        %parallel_loop3A_79 = arith.cmpi eq, %parallel_loop3A_78, %get3A_10 : vector<16xi32>
        tpu.vector_store_idx %arg5[%parallel_loop3A_75], %broadcast_in_dim3A_12 masked %parallel_loop3A_79 {add = true} : memref<16384xi32, #tpu.memory_space<vmem>>[vector<16xi32>], vector<16xi32>, vector<16xi1>
      } {sc.loop_unroll_factor = 8 : i64, sc.parallel_access}
      %add3A_41 = arith.constant 1 : i32
      %add3A_42 = arith.addi %add3A_26, %add3A_41 : i32
      %add3A_43 = arith.addi %mul3A_3, %add3A_42 : i32
      %dma_wait3A_44 = tpu.memref_slice %arg2[%add3A_43, %mul3A_6] : memref<128x32768xf32, #tpu.memory_space<hbm>> -> memref<1x16384xf32, #tpu.memory_space<hbm>>
      %dma_wait3A_45 = tpu.memref_squeeze %dma_wait3A_44 : memref<1x16384xf32, #tpu.memory_space<hbm>> -> memref<16384xf32, #tpu.memory_space<hbm>>
      %dma_wait3A_46 = tpu.memref_slice %arg2[%add3A_43, %mul3A_6] : memref<128x32768xf32, #tpu.memory_space<hbm>> -> memref<1x16384xf32, #tpu.memory_space<hbm>>
      %dma_wait3A_47 = tpu.memref_squeeze %dma_wait3A_46 : memref<1x16384xf32, #tpu.memory_space<hbm>> -> memref<16384xf32, #tpu.memory_space<hbm>>
      tpu.wait_dma2 semaphore(%arg10 : memref<!tpu.dma_semaphore, #tpu.memory_space<semaphore_mem>>) src(%dma_wait3A_47 : memref<16384xf32, #tpu.memory_space<hbm>>) dst(%arg7 : memref<16384xf32, #tpu.memory_space<vmem>>)
      %add3A_48 = arith.constant 2 : i32
      %add3A_49 = arith.addi %add3A_26, %add3A_48 : i32
      %lt3A = arith.constant 8 : i32
      %lt3A_50 = arith.cmpi slt, %add3A_49, %lt3A : i32
      %convert_element_type3A = arith.extui %lt3A_50 : i1 to i32
      %cond3A = arith.constant 0 : i32
      %cond3A_51 = arith.cmpi ne, %convert_element_type3A, %cond3A : i32
      scf.if %cond3A_51 {
        %add3A_55 = arith.constant 2 : i32
        %add3A_56 = arith.addi %add3A_26, %add3A_55 : i32
        %add3A_57 = arith.addi %mul3A_3, %add3A_56 : i32
        %dma_start3A_58 = tpu.memref_slice %arg2[%add3A_57, %mul3A_6] : memref<128x32768xf32, #tpu.memory_space<hbm>> -> memref<1x16384xf32, #tpu.memory_space<hbm>>
        %dma_start3A_59 = tpu.memref_squeeze %dma_start3A_58 : memref<1x16384xf32, #tpu.memory_space<hbm>> -> memref<16384xf32, #tpu.memory_space<hbm>>
        %dma_start3A_60 = tpu.memref_slice %arg2[%add3A_57, %mul3A_6] : memref<128x32768xf32, #tpu.memory_space<hbm>> -> memref<1x16384xf32, #tpu.memory_space<hbm>>
        %dma_start3A_61 = tpu.memref_squeeze %dma_start3A_60 : memref<1x16384xf32, #tpu.memory_space<hbm>> -> memref<16384xf32, #tpu.memory_space<hbm>>
        tpu.enqueue_dma source(%dma_start3A_61 : memref<16384xf32, #tpu.memory_space<hbm>>) target(%arg6 : memref<16384xf32, #tpu.memory_space<vmem>>) target_semaphore(%arg9 : memref<!tpu.dma_semaphore, #tpu.memory_space<semaphore_mem>>)
      } else {
      }
      %parallel_loop3A_52 = arith.constant 0 : i32
      %parallel_loop3A_53 = arith.constant 16384 : i32
      %parallel_loop3A_54 = arith.constant 16 : i32
      scf.for %parallel_loop3A_55 = %parallel_loop3A_52 to %parallel_loop3A_53 step %parallel_loop3A_54  : i32 {
        %parallel_loop3A_56 = arith.index_cast %parallel_loop3A_55 : i32 to index
        %parallel_loop3A_57 = tpu.vector_load %arg7[%parallel_loop3A_56] {strides = array<i32>} : memref<16384xf32, #tpu.memory_space<vmem>>, vector<16xf32>,
        %parallel_loop3A_58 = tpu.bitcast %parallel_loop3A_57 : vector<16xf32> -> vector<16xi32>
        %parallel_loop3A_59 = arith.constant 31 : i32
        %parallel_loop3A_60 = vector.broadcast %parallel_loop3A_59 : i32 to vector<16xi32>
        %parallel_loop3A_61 = arith.shrsi %parallel_loop3A_58, %parallel_loop3A_60 : vector<16xi32>
        %parallel_loop3A_62 = arith.constant 2147483647 : i32
        %parallel_loop3A_63 = vector.broadcast %parallel_loop3A_62 : i32 to vector<16xi32>
        %parallel_loop3A_64 = arith.andi %parallel_loop3A_61, %parallel_loop3A_63 : vector<16xi32>
        %parallel_loop3A_65 = arith.xori %parallel_loop3A_58, %parallel_loop3A_64 : vector<16xi32>
        %parallel_loop3A_66 = arith.constant 4 : i32
        %parallel_loop3A_67 = vector.broadcast %parallel_loop3A_66 : i32 to vector<16xi32>
        %parallel_loop3A_68 = arith.shli %parallel_loop3A_65, %parallel_loop3A_67 : vector<16xi32>
        %parallel_loop3A_69 = arith.constant 0 : i32
        %parallel_loop3A_70 = vector.broadcast %parallel_loop3A_69 : i32 to vector<16xi32>
        %parallel_loop3A_71 = arith.addi %parallel_loop3A_68, %parallel_loop3A_70 : vector<16xi32>
        %parallel_loop3A_72 = arith.constant 16368 : i32
        %parallel_loop3A_73 = vector.broadcast %parallel_loop3A_72 : i32 to vector<16xi32>
        %parallel_loop3A_74 = arith.andi %parallel_loop3A_71, %parallel_loop3A_73 : vector<16xi32>
        %parallel_loop3A_75 = arith.ori %parallel_loop3A_74, %iota3A : vector<16xi32>
        %parallel_loop3A_76 = arith.constant 10 : i32
        %parallel_loop3A_77 = vector.broadcast %parallel_loop3A_76 : i32 to vector<16xi32>
        %parallel_loop3A_78 = arith.shrsi %parallel_loop3A_65, %parallel_loop3A_77 : vector<16xi32>
        %parallel_loop3A_79 = arith.cmpi eq, %parallel_loop3A_78, %get3A_10 : vector<16xi32>
        tpu.vector_store_idx %arg5[%parallel_loop3A_75], %broadcast_in_dim3A_12 masked %parallel_loop3A_79 {add = true} : memref<16384xi32, #tpu.memory_space<vmem>>[vector<16xi32>], vector<16xi32>, vector<16xi1>
      } {sc.loop_unroll_factor = 8 : i64, sc.parallel_access}
    }
    %scan3A_21 = arith.constant 4 : i32
    "tpu.region"() ({
      %run_scoped3A_22 = tpu.sem_alloc : memref<!tpu.dma_semaphore, #tpu.memory_space<semaphore_mem>>
      %dma_start3A_23 = arith.constant 0 : i32
      %dma_start3A_24 = tpu.memref_slice %arg4[%add3A, %dma_start3A_23] : memref<32x16384xi32, #tpu.memory_space<hbm>> -> memref<1x16384xi32, #tpu.memory_space<hbm>>
      %dma_start3A_25 = tpu.memref_squeeze %dma_start3A_24 : memref<1x16384xi32, #tpu.memory_space<hbm>> -> memref<16384xi32, #tpu.memory_space<hbm>>
      %dma_start3A_26 = arith.constant 0 : i32
      %dma_start3A_27 = tpu.memref_slice %arg4[%add3A, %dma_start3A_26] : memref<32x16384xi32, #tpu.memory_space<hbm>> -> memref<1x16384xi32, #tpu.memory_space<hbm>>
      %dma_start3A_28 = tpu.memref_squeeze %dma_start3A_27 : memref<1x16384xi32, #tpu.memory_space<hbm>> -> memref<16384xi32, #tpu.memory_space<hbm>>
      tpu.enqueue_dma source(%arg5 : memref<16384xi32, #tpu.memory_space<vmem>>) target(%dma_start3A_28 : memref<16384xi32, #tpu.memory_space<hbm>>) target_semaphore(%run_scoped3A_22 : memref<!tpu.dma_semaphore, #tpu.memory_space<semaphore_mem>>)
      %dma_wait3A = arith.constant 0 : i32
      %dma_wait3A_29 = tpu.memref_slice %arg4[%add3A, %dma_wait3A] : memref<32x16384xi32, #tpu.memory_space<hbm>> -> memref<1x16384xi32, #tpu.memory_space<hbm>>
      %dma_wait3A_30 = tpu.memref_squeeze %dma_wait3A_29 : memref<1x16384xi32, #tpu.memory_space<hbm>> -> memref<16384xi32, #tpu.memory_space<hbm>>
      %dma_wait3A_31 = arith.constant 0 : i32
      %dma_wait3A_32 = tpu.memref_slice %arg4[%add3A, %dma_wait3A_31] : memref<32x16384xi32, #tpu.memory_space<hbm>> -> memref<1x16384xi32, #tpu.memory_space<hbm>>
      %dma_wait3A_33 = tpu.memref_squeeze %dma_wait3A_32 : memref<1x16384xi32, #tpu.memory_space<hbm>> -> memref<16384xi32, #tpu.memory_space<hbm>>
      tpu.wait_dma2 semaphore(%run_scoped3A_22 : memref<!tpu.dma_semaphore, #tpu.memory_space<semaphore_mem>>) src(%arg5 : memref<16384xi32, #tpu.memory_space<vmem>>) dst(%dma_wait3A_33 : memref<16384xi32, #tpu.memory_space<hbm>>)
      tpu.yield
    }) : () -> ()
    return
  }
}

#map = affine_map<(d0, d1) -> (0, 0)>
module attributes {stable_mosaic.version = 14 : i64} {
  func.func @body(%arg0: i32, %arg1: i32, %arg2: memref<128x32768xf32, #tpu.memory_space<hbm>>, %arg3: memref<1x128xi32, #tpu.memory_space<hbm>>, %arg4: memref<32x32768xi32, #tpu.memory_space<hbm>>, %arg5: memref<32768xi32, #tpu.memory_space<vmem>>, %arg6: memref<16384xf32, #tpu.memory_space<vmem>>, %arg7: memref<16384xf32, #tpu.memory_space<vmem>>, %arg8: memref<128xi32, #tpu.memory_space<vmem>>, %arg9: memref<!tpu.dma_semaphore, #tpu.memory_space<semaphore_mem>>, %arg10: memref<!tpu.dma_semaphore, #tpu.memory_space<semaphore_mem>>) attributes {dimension_semantics = [#tpu.dimension_semantics<core_parallel>, #tpu.dimension_semantics<subcore_parallel>], iteration_bounds = array<i64: 2, 16>, scalar_prefetch = 0 : i64, scratch_operands = 6 : i64, tpu.core_type = #tpu.core_type<sc_vector_subcore>, window_params = [{transform_indices = #map}, {transform_indices = #map}, {transform_indices = #map}]} {
    %mul3A = arith.constant 16 : i32
    %mul3A_0 = arith.muli %arg0, %mul3A : i32
    %add3A = arith.addi %mul3A_0, %arg1 : i32
    %shift_right_arithmetic3A = arith.constant 1 : i32
    %shift_right_arithmetic3A_1 = arith.shrsi %add3A, %shift_right_arithmetic3A : i32
    %mul3A_2 = arith.constant 8 : i32
    %mul3A_3 = arith.muli %shift_right_arithmetic3A_1, %mul3A_2 : i32
    %and3A = arith.constant 1 : i32
    %and3A_4 = arith.andi %add3A, %and3A : i32
    %mul3A_5 = arith.constant 16384 : i32
    %mul3A_6 = arith.muli %and3A_4, %mul3A_5 : i32
    %broadcast_in_dim3A = arith.constant 0 : i32
    %broadcast_in_dim3A_7 = vector.broadcast %broadcast_in_dim3A : i32 to vector<16xi32>
    %parallel_loop3A = arith.constant 0 : i32
    %parallel_loop3A_8 = arith.constant 32768 : i32
    %parallel_loop3A_9 = arith.constant 16 : i32
    scf.for %parallel_loop3A_22 = %parallel_loop3A to %parallel_loop3A_8 step %parallel_loop3A_9  : i32 {
      %parallel_loop3A_23 = arith.index_cast %parallel_loop3A_22 : i32 to index
      %parallel_loop3A_24 = tpu.vector_load %arg5[%parallel_loop3A_23] {strides = array<i32>} : memref<32768xi32, #tpu.memory_space<vmem>>, vector<16xi32>,
      tpu.vector_store %arg5[%parallel_loop3A_23], %broadcast_in_dim3A_7 {strides = array<i32>} : memref<32768xi32, #tpu.memory_space<vmem>>, vector<16xi32>,
    } {sc.loop_unroll_factor = 8 : i64, sc.parallel_access}
    %run_scoped3A = arith.constant 0 : i32
    "tpu.region"() ({
      %run_scoped3A_22 = tpu.sem_alloc : memref<!tpu.dma_semaphore, #tpu.memory_space<semaphore_mem>>
      %dma_start3A_23 = arith.constant 0 : i32
      %dma_start3A_24 = tpu.memref_slice %arg3[%run_scoped3A, %dma_start3A_23] : memref<1x128xi32, #tpu.memory_space<hbm>> -> memref<1x128xi32, #tpu.memory_space<hbm>>
      %dma_start3A_25 = tpu.memref_squeeze %dma_start3A_24 : memref<1x128xi32, #tpu.memory_space<hbm>> -> memref<128xi32, #tpu.memory_space<hbm>>
      %dma_start3A_26 = arith.constant 0 : i32
      %dma_start3A_27 = tpu.memref_slice %arg3[%run_scoped3A, %dma_start3A_26] : memref<1x128xi32, #tpu.memory_space<hbm>> -> memref<1x128xi32, #tpu.memory_space<hbm>>
      %dma_start3A_28 = tpu.memref_squeeze %dma_start3A_27 : memref<1x128xi32, #tpu.memory_space<hbm>> -> memref<128xi32, #tpu.memory_space<hbm>>
      tpu.enqueue_dma source(%dma_start3A_28 : memref<128xi32, #tpu.memory_space<hbm>>) target(%arg8 : memref<128xi32, #tpu.memory_space<vmem>>) target_semaphore(%run_scoped3A_22 : memref<!tpu.dma_semaphore, #tpu.memory_space<semaphore_mem>>)
      %dma_wait3A = arith.constant 0 : i32
      %dma_wait3A_29 = tpu.memref_slice %arg3[%run_scoped3A, %dma_wait3A] : memref<1x128xi32, #tpu.memory_space<hbm>> -> memref<1x128xi32, #tpu.memory_space<hbm>>
      %dma_wait3A_30 = tpu.memref_squeeze %dma_wait3A_29 : memref<1x128xi32, #tpu.memory_space<hbm>> -> memref<128xi32, #tpu.memory_space<hbm>>
      %dma_wait3A_31 = arith.constant 0 : i32
      %dma_wait3A_32 = tpu.memref_slice %arg3[%run_scoped3A, %dma_wait3A_31] : memref<1x128xi32, #tpu.memory_space<hbm>> -> memref<1x128xi32, #tpu.memory_space<hbm>>
      %dma_wait3A_33 = tpu.memref_squeeze %dma_wait3A_32 : memref<1x128xi32, #tpu.memory_space<hbm>> -> memref<128xi32, #tpu.memory_space<hbm>>
      tpu.wait_dma2 semaphore(%run_scoped3A_22 : memref<!tpu.dma_semaphore, #tpu.memory_space<semaphore_mem>>) src(%dma_wait3A_33 : memref<128xi32, #tpu.memory_space<hbm>>) dst(%arg8 : memref<128xi32, #tpu.memory_space<vmem>>)
      tpu.yield
    }) : () -> ()
    %get3A = arith.constant 0 : index
    %get3A_10 = tpu.vector_load %arg8[%get3A] {strides = array<i32>} : memref<128xi32, #tpu.memory_space<vmem>>, vector<16xi32>,
    %iota3A = tpu.iota {dimensions = array<i32: 0>} : vector<16xi32>
    %broadcast_in_dim3A_11 = arith.constant 1 : i32
    %broadcast_in_dim3A_12 = vector.broadcast %broadcast_in_dim3A_11 : i32 to vector<16xi32>
    %add3A_13 = arith.constant 0 : i32
    %add3A_14 = arith.addi %mul3A_3, %add3A_13 : i32
    %dma_start3A = tpu.memref_slice %arg2[%add3A_14, %mul3A_6] : memref<128x32768xf32, #tpu.memory_space<hbm>> -> memref<1x16384xf32, #tpu.memory_space<hbm>>
    %dma_start3A_15 = tpu.memref_squeeze %dma_start3A : memref<1x16384xf32, #tpu.memory_space<hbm>> -> memref<16384xf32, #tpu.memory_space<hbm>>
    %dma_start3A_16 = tpu.memref_slice %arg2[%add3A_14, %mul3A_6] : memref<128x32768xf32, #tpu.memory_space<hbm>> -> memref<1x16384xf32, #tpu.memory_space<hbm>>
    %dma_start3A_17 = tpu.memref_squeeze %dma_start3A_16 : memref<1x16384xf32, #tpu.memory_space<hbm>> -> memref<16384xf32, #tpu.memory_space<hbm>>
    tpu.enqueue_dma source(%dma_start3A_17 : memref<16384xf32, #tpu.memory_space<hbm>>) target(%arg6 : memref<16384xf32, #tpu.memory_space<vmem>>) target_semaphore(%arg9 : memref<!tpu.dma_semaphore, #tpu.memory_space<semaphore_mem>>)
    %scan3A = arith.constant 0 : i32
    %scan3A_18 = arith.constant 4 : i32
    %scan3A_19 = arith.addi %scan3A, %scan3A_18 : i32
    %scan3A_20 = arith.constant 1 : i32
    scf.for %scan3A_22 = %scan3A to %scan3A_19 step %scan3A_20  : i32 {
      %mul3A_23 = arith.constant 2 : i32
      %mul3A_24 = arith.muli %scan3A_22, %mul3A_23 : i32
      %add3A_25 = arith.constant 0 : i32
      %add3A_26 = arith.addi %add3A_25, %mul3A_24 : i32
      %add3A_27 = arith.addi %mul3A_3, %add3A_26 : i32
      %dma_wait3A = tpu.memref_slice %arg2[%add3A_27, %mul3A_6] : memref<128x32768xf32, #tpu.memory_space<hbm>> -> memref<1x16384xf32, #tpu.memory_space<hbm>>
      %dma_wait3A_28 = tpu.memref_squeeze %dma_wait3A : memref<1x16384xf32, #tpu.memory_space<hbm>> -> memref<16384xf32, #tpu.memory_space<hbm>>
      %dma_wait3A_29 = tpu.memref_slice %arg2[%add3A_27, %mul3A_6] : memref<128x32768xf32, #tpu.memory_space<hbm>> -> memref<1x16384xf32, #tpu.memory_space<hbm>>
      %dma_wait3A_30 = tpu.memref_squeeze %dma_wait3A_29 : memref<1x16384xf32, #tpu.memory_space<hbm>> -> memref<16384xf32, #tpu.memory_space<hbm>>
      tpu.wait_dma2 semaphore(%arg9 : memref<!tpu.dma_semaphore, #tpu.memory_space<semaphore_mem>>) src(%dma_wait3A_30 : memref<16384xf32, #tpu.memory_space<hbm>>) dst(%arg6 : memref<16384xf32, #tpu.memory_space<vmem>>)
      %add3A_31 = arith.constant 1 : i32
      %add3A_32 = arith.addi %add3A_26, %add3A_31 : i32
      %add3A_33 = arith.addi %mul3A_3, %add3A_32 : i32
      %dma_start3A_34 = tpu.memref_slice %arg2[%add3A_33, %mul3A_6] : memref<128x32768xf32, #tpu.memory_space<hbm>> -> memref<1x16384xf32, #tpu.memory_space<hbm>>
      %dma_start3A_35 = tpu.memref_squeeze %dma_start3A_34 : memref<1x16384xf32, #tpu.memory_space<hbm>> -> memref<16384xf32, #tpu.memory_space<hbm>>
      %dma_start3A_36 = tpu.memref_slice %arg2[%add3A_33, %mul3A_6] : memref<128x32768xf32, #tpu.memory_space<hbm>> -> memref<1x16384xf32, #tpu.memory_space<hbm>>
      %dma_start3A_37 = tpu.memref_squeeze %dma_start3A_36 : memref<1x16384xf32, #tpu.memory_space<hbm>> -> memref<16384xf32, #tpu.memory_space<hbm>>
      tpu.enqueue_dma source(%dma_start3A_37 : memref<16384xf32, #tpu.memory_space<hbm>>) target(%arg7 : memref<16384xf32, #tpu.memory_space<vmem>>) target_semaphore(%arg10 : memref<!tpu.dma_semaphore, #tpu.memory_space<semaphore_mem>>)
      %parallel_loop3A_38 = arith.constant 0 : i32
      %parallel_loop3A_39 = arith.constant 16384 : i32
      %parallel_loop3A_40 = arith.constant 16 : i32
      scf.for %parallel_loop3A_55 = %parallel_loop3A_38 to %parallel_loop3A_39 step %parallel_loop3A_40  : i32 {
        %parallel_loop3A_56 = arith.index_cast %parallel_loop3A_55 : i32 to index
        %parallel_loop3A_57 = tpu.vector_load %arg6[%parallel_loop3A_56] {strides = array<i32>} : memref<16384xf32, #tpu.memory_space<vmem>>, vector<16xf32>,
        %parallel_loop3A_58 = tpu.bitcast %parallel_loop3A_57 : vector<16xf32> -> vector<16xi32>
        %parallel_loop3A_59 = arith.constant 31 : i32
        %parallel_loop3A_60 = vector.broadcast %parallel_loop3A_59 : i32 to vector<16xi32>
        %parallel_loop3A_61 = arith.shrsi %parallel_loop3A_58, %parallel_loop3A_60 : vector<16xi32>
        %parallel_loop3A_62 = arith.constant 2147483647 : i32
        %parallel_loop3A_63 = vector.broadcast %parallel_loop3A_62 : i32 to vector<16xi32>
        %parallel_loop3A_64 = arith.andi %parallel_loop3A_61, %parallel_loop3A_63 : vector<16xi32>
        %parallel_loop3A_65 = arith.xori %parallel_loop3A_58, %parallel_loop3A_64 : vector<16xi32>
        %parallel_loop3A_66 = arith.constant 6 : i32
        %parallel_loop3A_67 = vector.broadcast %parallel_loop3A_66 : i32 to vector<16xi32>
        %parallel_loop3A_68 = arith.shrsi %parallel_loop3A_65, %parallel_loop3A_67 : vector<16xi32>
        %parallel_loop3A_69 = arith.constant 0 : i32
        %parallel_loop3A_70 = vector.broadcast %parallel_loop3A_69 : i32 to vector<16xi32>
        %parallel_loop3A_71 = arith.addi %parallel_loop3A_68, %parallel_loop3A_70 : vector<16xi32>
        %parallel_loop3A_72 = arith.constant 32752 : i32
        %parallel_loop3A_73 = vector.broadcast %parallel_loop3A_72 : i32 to vector<16xi32>
        %parallel_loop3A_74 = arith.andi %parallel_loop3A_71, %parallel_loop3A_73 : vector<16xi32>
        %parallel_loop3A_75 = arith.ori %parallel_loop3A_74, %iota3A : vector<16xi32>
        %parallel_loop3A_76 = arith.constant 21 : i32
        %parallel_loop3A_77 = vector.broadcast %parallel_loop3A_76 : i32 to vector<16xi32>
        %parallel_loop3A_78 = arith.shrsi %parallel_loop3A_65, %parallel_loop3A_77 : vector<16xi32>
        %parallel_loop3A_79 = arith.cmpi eq, %parallel_loop3A_78, %get3A_10 : vector<16xi32>
        tpu.vector_store_idx %arg5[%parallel_loop3A_75], %broadcast_in_dim3A_12 masked %parallel_loop3A_79 {add = true} : memref<32768xi32, #tpu.memory_space<vmem>>[vector<16xi32>], vector<16xi32>, vector<16xi1>
      } {sc.loop_unroll_factor = 8 : i64, sc.parallel_access}
      %add3A_41 = arith.constant 1 : i32
      %add3A_42 = arith.addi %add3A_26, %add3A_41 : i32
      %add3A_43 = arith.addi %mul3A_3, %add3A_42 : i32
      %dma_wait3A_44 = tpu.memref_slice %arg2[%add3A_43, %mul3A_6] : memref<128x32768xf32, #tpu.memory_space<hbm>> -> memref<1x16384xf32, #tpu.memory_space<hbm>>
      %dma_wait3A_45 = tpu.memref_squeeze %dma_wait3A_44 : memref<1x16384xf32, #tpu.memory_space<hbm>> -> memref<16384xf32, #tpu.memory_space<hbm>>
      %dma_wait3A_46 = tpu.memref_slice %arg2[%add3A_43, %mul3A_6] : memref<128x32768xf32, #tpu.memory_space<hbm>> -> memref<1x16384xf32, #tpu.memory_space<hbm>>
      %dma_wait3A_47 = tpu.memref_squeeze %dma_wait3A_46 : memref<1x16384xf32, #tpu.memory_space<hbm>> -> memref<16384xf32, #tpu.memory_space<hbm>>
      tpu.wait_dma2 semaphore(%arg10 : memref<!tpu.dma_semaphore, #tpu.memory_space<semaphore_mem>>) src(%dma_wait3A_47 : memref<16384xf32, #tpu.memory_space<hbm>>) dst(%arg7 : memref<16384xf32, #tpu.memory_space<vmem>>)
      %add3A_48 = arith.constant 2 : i32
      %add3A_49 = arith.addi %add3A_26, %add3A_48 : i32
      %lt3A = arith.constant 8 : i32
      %lt3A_50 = arith.cmpi slt, %add3A_49, %lt3A : i32
      %convert_element_type3A = arith.extui %lt3A_50 : i1 to i32
      %cond3A = arith.constant 0 : i32
      %cond3A_51 = arith.cmpi ne, %convert_element_type3A, %cond3A : i32
      scf.if %cond3A_51 {
        %add3A_55 = arith.constant 2 : i32
        %add3A_56 = arith.addi %add3A_26, %add3A_55 : i32
        %add3A_57 = arith.addi %mul3A_3, %add3A_56 : i32
        %dma_start3A_58 = tpu.memref_slice %arg2[%add3A_57, %mul3A_6] : memref<128x32768xf32, #tpu.memory_space<hbm>> -> memref<1x16384xf32, #tpu.memory_space<hbm>>
        %dma_start3A_59 = tpu.memref_squeeze %dma_start3A_58 : memref<1x16384xf32, #tpu.memory_space<hbm>> -> memref<16384xf32, #tpu.memory_space<hbm>>
        %dma_start3A_60 = tpu.memref_slice %arg2[%add3A_57, %mul3A_6] : memref<128x32768xf32, #tpu.memory_space<hbm>> -> memref<1x16384xf32, #tpu.memory_space<hbm>>
        %dma_start3A_61 = tpu.memref_squeeze %dma_start3A_60 : memref<1x16384xf32, #tpu.memory_space<hbm>> -> memref<16384xf32, #tpu.memory_space<hbm>>
        tpu.enqueue_dma source(%dma_start3A_61 : memref<16384xf32, #tpu.memory_space<hbm>>) target(%arg6 : memref<16384xf32, #tpu.memory_space<vmem>>) target_semaphore(%arg9 : memref<!tpu.dma_semaphore, #tpu.memory_space<semaphore_mem>>)
      } else {
      }
      %parallel_loop3A_52 = arith.constant 0 : i32
      %parallel_loop3A_53 = arith.constant 16384 : i32
      %parallel_loop3A_54 = arith.constant 16 : i32
      scf.for %parallel_loop3A_55 = %parallel_loop3A_52 to %parallel_loop3A_53 step %parallel_loop3A_54  : i32 {
        %parallel_loop3A_56 = arith.index_cast %parallel_loop3A_55 : i32 to index
        %parallel_loop3A_57 = tpu.vector_load %arg7[%parallel_loop3A_56] {strides = array<i32>} : memref<16384xf32, #tpu.memory_space<vmem>>, vector<16xf32>,
        %parallel_loop3A_58 = tpu.bitcast %parallel_loop3A_57 : vector<16xf32> -> vector<16xi32>
        %parallel_loop3A_59 = arith.constant 31 : i32
        %parallel_loop3A_60 = vector.broadcast %parallel_loop3A_59 : i32 to vector<16xi32>
        %parallel_loop3A_61 = arith.shrsi %parallel_loop3A_58, %parallel_loop3A_60 : vector<16xi32>
        %parallel_loop3A_62 = arith.constant 2147483647 : i32
        %parallel_loop3A_63 = vector.broadcast %parallel_loop3A_62 : i32 to vector<16xi32>
        %parallel_loop3A_64 = arith.andi %parallel_loop3A_61, %parallel_loop3A_63 : vector<16xi32>
        %parallel_loop3A_65 = arith.xori %parallel_loop3A_58, %parallel_loop3A_64 : vector<16xi32>
        %parallel_loop3A_66 = arith.constant 6 : i32
        %parallel_loop3A_67 = vector.broadcast %parallel_loop3A_66 : i32 to vector<16xi32>
        %parallel_loop3A_68 = arith.shrsi %parallel_loop3A_65, %parallel_loop3A_67 : vector<16xi32>
        %parallel_loop3A_69 = arith.constant 0 : i32
        %parallel_loop3A_70 = vector.broadcast %parallel_loop3A_69 : i32 to vector<16xi32>
        %parallel_loop3A_71 = arith.addi %parallel_loop3A_68, %parallel_loop3A_70 : vector<16xi32>
        %parallel_loop3A_72 = arith.constant 32752 : i32
        %parallel_loop3A_73 = vector.broadcast %parallel_loop3A_72 : i32 to vector<16xi32>
        %parallel_loop3A_74 = arith.andi %parallel_loop3A_71, %parallel_loop3A_73 : vector<16xi32>
        %parallel_loop3A_75 = arith.ori %parallel_loop3A_74, %iota3A : vector<16xi32>
        %parallel_loop3A_76 = arith.constant 21 : i32
        %parallel_loop3A_77 = vector.broadcast %parallel_loop3A_76 : i32 to vector<16xi32>
        %parallel_loop3A_78 = arith.shrsi %parallel_loop3A_65, %parallel_loop3A_77 : vector<16xi32>
        %parallel_loop3A_79 = arith.cmpi eq, %parallel_loop3A_78, %get3A_10 : vector<16xi32>
        tpu.vector_store_idx %arg5[%parallel_loop3A_75], %broadcast_in_dim3A_12 masked %parallel_loop3A_79 {add = true} : memref<32768xi32, #tpu.memory_space<vmem>>[vector<16xi32>], vector<16xi32>, vector<16xi1>
      } {sc.loop_unroll_factor = 8 : i64, sc.parallel_access}
    }
    %scan3A_21 = arith.constant 4 : i32
    "tpu.region"() ({
      %run_scoped3A_22 = tpu.sem_alloc : memref<!tpu.dma_semaphore, #tpu.memory_space<semaphore_mem>>
      %dma_start3A_23 = arith.constant 0 : i32
      %dma_start3A_24 = tpu.memref_slice %arg4[%add3A, %dma_start3A_23] : memref<32x32768xi32, #tpu.memory_space<hbm>> -> memref<1x32768xi32, #tpu.memory_space<hbm>>
      %dma_start3A_25 = tpu.memref_squeeze %dma_start3A_24 : memref<1x32768xi32, #tpu.memory_space<hbm>> -> memref<32768xi32, #tpu.memory_space<hbm>>
      %dma_start3A_26 = arith.constant 0 : i32
      %dma_start3A_27 = tpu.memref_slice %arg4[%add3A, %dma_start3A_26] : memref<32x32768xi32, #tpu.memory_space<hbm>> -> memref<1x32768xi32, #tpu.memory_space<hbm>>
      %dma_start3A_28 = tpu.memref_squeeze %dma_start3A_27 : memref<1x32768xi32, #tpu.memory_space<hbm>> -> memref<32768xi32, #tpu.memory_space<hbm>>
      tpu.enqueue_dma source(%arg5 : memref<32768xi32, #tpu.memory_space<vmem>>) target(%dma_start3A_28 : memref<32768xi32, #tpu.memory_space<hbm>>) target_semaphore(%run_scoped3A_22 : memref<!tpu.dma_semaphore, #tpu.memory_space<semaphore_mem>>)
      %dma_wait3A = arith.constant 0 : i32
      %dma_wait3A_29 = tpu.memref_slice %arg4[%add3A, %dma_wait3A] : memref<32x32768xi32, #tpu.memory_space<hbm>> -> memref<1x32768xi32, #tpu.memory_space<hbm>>
      %dma_wait3A_30 = tpu.memref_squeeze %dma_wait3A_29 : memref<1x32768xi32, #tpu.memory_space<hbm>> -> memref<32768xi32, #tpu.memory_space<hbm>>
      %dma_wait3A_31 = arith.constant 0 : i32
      %dma_wait3A_32 = tpu.memref_slice %arg4[%add3A, %dma_wait3A_31] : memref<32x32768xi32, #tpu.memory_space<hbm>> -> memref<1x32768xi32, #tpu.memory_space<hbm>>
      %dma_wait3A_33 = tpu.memref_squeeze %dma_wait3A_32 : memref<1x32768xi32, #tpu.memory_space<hbm>> -> memref<32768xi32, #tpu.memory_space<hbm>>
      tpu.wait_dma2 semaphore(%run_scoped3A_22 : memref<!tpu.dma_semaphore, #tpu.memory_space<semaphore_mem>>) src(%arg5 : memref<32768xi32, #tpu.memory_space<vmem>>) dst(%dma_wait3A_33 : memref<32768xi32, #tpu.memory_space<hbm>>)
      tpu.yield
    }) : () -> ()
    return
  }
}

module attributes {stable_mosaic.version = 14 : i64} {
  func.func @body(%arg0: memref<32x32768xi32, #tpu.memory_space<vmem>>, %arg1: memref<1x128xi32, #tpu.memory_space<smem>>, %arg2: memref<1x128xi32, #tpu.memory_space<vmem>>) attributes {dimension_semantics = [], scalar_prefetch = 0 : i64, scratch_operands = 0 : i64, tpu.core_type = #tpu.core_type<tc>} {
    %get3A = arith.constant 0 : index
    %get3A_0 = arith.constant 16 : index
    %get3A_1 = memref.load %arg1[%get3A, %get3A_0] : memref<1x128xi32, #tpu.memory_space<smem>>
    %get3A_2 = arith.constant 0 : index
    %get3A_3 = arith.constant 0 : index
    %get3A_4 = vector.load %arg0[%get3A_2, %get3A_3] : memref<32x32768xi32, #tpu.memory_space<vmem>>, vector<32x32768xi32>
    %reduce_sum3A = arith.constant dense<0> : vector<32768xi32>
    %reduce_sum3A_5 = vector.multi_reduction <add>, %get3A_4, %reduce_sum3A [0] : vector<32x32768xi32> to vector<32768xi32>
    %broadcast_in_dim3A = vector.shape_cast %reduce_sum3A_5 : vector<32768xi32> to vector<1x32768xi32>
    %iota3A = tpu.iota {dimensions = array<i32: 1>} : vector<1x32768xi32>
    %shift_right_arithmetic3A = arith.constant 4 : i32
    %shift_right_arithmetic3A_6 = vector.broadcast %shift_right_arithmetic3A : i32 to vector<1x32768xi32>
    %shift_right_arithmetic3A_7 = arith.shrsi %iota3A, %shift_right_arithmetic3A_6 : vector<1x32768xi32>
    %scan3A = arith.constant 0 : i32
    %scan3A_8 = arith.constant 2048 : i32
    %scan3A_9 = arith.constant 0 : i32
    %scan3A_10 = arith.constant 12 : i32
    %scan3A_11 = arith.addi %scan3A_9, %scan3A_10 : i32
    %scan3A_12 = arith.constant 1 : i32
    %scan3A_13:2 = scf.for %scan3A_52 = %scan3A_9 to %scan3A_11 step %scan3A_12 iter_args(%scan3A_53 = %scan3A, %scan3A_54 = %scan3A_8) -> (i32, i32)  : i32 {
      %add3A_55 = arith.addi %scan3A_53, %scan3A_54 : i32
      %jit3A_56 = arith.constant 2 : i32
      %div3A = arith.divsi %add3A_55, %jit3A_56 : i32
      %sign3A = arith.constant 0 : i32
      %sign3A_57 = arith.cmpi sgt, %add3A_55, %sign3A : i32
      %sign3A_58 = arith.extui %sign3A_57 : i1 to i32
      %sign3A_59 = arith.constant 0 : i32
      %sign3A_60 = arith.cmpi slt, %add3A_55, %sign3A_59 : i32
      %sign3A_61 = arith.extui %sign3A_60 : i1 to i32
      %sign3A_62 = arith.subi %sign3A_58, %sign3A_61 : i32
      %sign3A_63 = arith.constant 0 : i32
      %sign3A_64 = arith.cmpi sgt, %jit3A_56, %sign3A_63 : i32
      %sign3A_65 = arith.extui %sign3A_64 : i1 to i32
      %sign3A_66 = arith.constant 0 : i32
      %sign3A_67 = arith.cmpi slt, %jit3A_56, %sign3A_66 : i32
      %sign3A_68 = arith.extui %sign3A_67 : i1 to i32
      %sign3A_69 = arith.subi %sign3A_65, %sign3A_68 : i32
      %ne3A = arith.cmpi ne, %sign3A_62, %sign3A_69 : i32
      %rem3A = arith.remsi %add3A_55, %jit3A_56 : i32
      %ne3A_70 = arith.constant 0 : i32
      %ne3A_71 = arith.cmpi ne, %rem3A, %ne3A_70 : i32
      %and3A = arith.andi %ne3A, %ne3A_71 : i1
      %sub3A_72 = arith.constant 1 : i32
      %sub3A_73 = arith.subi %div3A, %sub3A_72 : i32
      %select_n3A_74 = arith.select %and3A, %sub3A_73, %div3A : i32
      %ge3A_75 = vector.broadcast %select_n3A_74 : i32 to vector<1x32768xi32>
      %ge3A_76 = arith.cmpi sge, %shift_right_arithmetic3A_7, %ge3A_75 : vector<1x32768xi32>
      %jit3A_77 = arith.constant 0 : i32
      %broadcast_in_dim3A_78 = vector.broadcast %jit3A_77 : i32 to vector<1x32768xi32>
      %select_n3A_79 = arith.select %ge3A_76, %broadcast_in_dim3A, %broadcast_in_dim3A_78 : vector<1x32768xi1>, vector<1x32768xi32>
      %reduce_sum3A_80 = vector.shape_cast %select_n3A_79 : vector<1x32768xi32> to vector<1x1x32768xi32>
      %reduce_sum3A_81 = arith.constant dense<0> : vector<1xi32>
      %reduce_sum3A_82 = vector.multi_reduction <add>, %reduce_sum3A_80, %reduce_sum3A_81 [1, 2] : vector<1x1x32768xi32> to vector<1xi32>
      %reduce_sum3A_83 = vector.shape_cast %reduce_sum3A_82 : vector<1xi32> to vector<1x1x1xi32>
      %reduce_sum3A_84 = vector.extract %reduce_sum3A_83[0, 0, 0] : i32 from vector<1x1x1xi32>
      %ge3A_85 = arith.cmpi sge, %reduce_sum3A_84, %get3A_1 : i32
      %select_n3A_86 = arith.select %ge3A_85, %select_n3A_74, %scan3A_53 : i32
      %select_n3A_87 = arith.select %ge3A_85, %scan3A_54, %select_n3A_74 : i32
      scf.yield %select_n3A_86, %select_n3A_87 : i32, i32
    }
    %add3A = arith.constant 1 : i32
    %add3A_14 = arith.addi %scan3A_13#0, %add3A : i32
    %ge3A = vector.broadcast %add3A_14 : i32 to vector<1x32768xi32>
    %ge3A_15 = arith.cmpi sge, %shift_right_arithmetic3A_7, %ge3A : vector<1x32768xi32>
    %jit3A = arith.constant 0 : i32
    %broadcast_in_dim3A_16 = vector.broadcast %jit3A : i32 to vector<1x32768xi32>
    %select_n3A = arith.select %ge3A_15, %broadcast_in_dim3A, %broadcast_in_dim3A_16 : vector<1x32768xi1>, vector<1x32768xi32>
    %reduce_sum3A_17 = vector.shape_cast %select_n3A : vector<1x32768xi32> to vector<1x1x32768xi32>
    %reduce_sum3A_18 = arith.constant dense<0> : vector<1xi32>
    %reduce_sum3A_19 = vector.multi_reduction <add>, %reduce_sum3A_17, %reduce_sum3A_18 [1, 2] : vector<1x1x32768xi32> to vector<1xi32>
    %reduce_sum3A_20 = vector.shape_cast %reduce_sum3A_19 : vector<1xi32> to vector<1x1x1xi32>
    %reduce_sum3A_21 = vector.extract %reduce_sum3A_20[0, 0, 0] : i32 from vector<1x1x1xi32>
    %sub3A = arith.subi %get3A_1, %reduce_sum3A_21 : i32
    %get3A_22 = arith.constant 0 : index
    %get3A_23 = arith.constant 0 : index
    %get3A_24 = memref.load %arg1[%get3A_22, %get3A_23] : memref<1x128xi32, #tpu.memory_space<smem>>
    %mul3A = arith.constant 2048 : i32
    %mul3A_25 = arith.muli %get3A_24, %mul3A : i32
    %add3A_26 = arith.addi %mul3A_25, %scan3A_13#0 : i32
    %iota3A_27 = tpu.iota {dimensions = array<i32: 1>} : vector<1x128xi32>
    %lt3A = arith.constant 16 : i32
    %lt3A_28 = vector.broadcast %lt3A : i32 to vector<1x128xi32>
    %lt3A_29 = arith.cmpi slt, %iota3A_27, %lt3A_28 : vector<1x128xi32>
    %jit3A_30 = arith.constant 0 : i32
    %broadcast_in_dim3A_31 = vector.broadcast %add3A_26 : i32 to vector<1x128xi32>
    %broadcast_in_dim3A_32 = vector.broadcast %jit3A_30 : i32 to vector<1x128xi32>
    %select_n3A_33 = arith.select %lt3A_29, %broadcast_in_dim3A_31, %broadcast_in_dim3A_32 : vector<1x128xi1>, vector<1x128xi32>
    %eq3A = arith.constant 16 : i32
    %eq3A_34 = vector.broadcast %eq3A : i32 to vector<1x128xi32>
    %eq3A_35 = arith.cmpi eq, %iota3A_27, %eq3A_34 : vector<1x128xi32>
    %jit3A_36 = arith.constant 0 : i32
    %broadcast_in_dim3A_37 = vector.broadcast %sub3A : i32 to vector<1x128xi32>
    %broadcast_in_dim3A_38 = vector.broadcast %jit3A_36 : i32 to vector<1x128xi32>
    %select_n3A_39 = arith.select %eq3A_35, %broadcast_in_dim3A_37, %broadcast_in_dim3A_38 : vector<1x128xi1>, vector<1x128xi32>
    %add3A_40 = arith.addi %select_n3A_33, %select_n3A_39 : vector<1x128xi32>
    %eq3A_41 = arith.constant 17 : i32
    %eq3A_42 = vector.broadcast %eq3A_41 : i32 to vector<1x128xi32>
    %eq3A_43 = arith.cmpi eq, %iota3A_27, %eq3A_42 : vector<1x128xi32>
    %jit3A_44 = arith.constant 0 : i32
    %jit3A_45 = arith.constant 0 : i32
    %broadcast_in_dim3A_46 = vector.broadcast %jit3A_44 : i32 to vector<1x128xi32>
    %broadcast_in_dim3A_47 = vector.broadcast %jit3A_45 : i32 to vector<1x128xi32>
    %select_n3A_48 = arith.select %eq3A_43, %broadcast_in_dim3A_46, %broadcast_in_dim3A_47 : vector<1x128xi1>, vector<1x128xi32>
    %add3A_49 = arith.addi %add3A_40, %select_n3A_48 : vector<1x128xi32>
    %swap3A = arith.constant 0 : index
    %swap3A_50 = arith.constant 0 : index
    %swap3A_51 = vector.load %arg2[%swap3A, %swap3A_50] : memref<1x128xi32, #tpu.memory_space<vmem>>, vector<1x128xi32>
    tpu.vector_store %arg2[%swap3A, %swap3A_50], %add3A_49 {strides = array<i32>} : memref<1x128xi32, #tpu.memory_space<vmem>>, vector<1x128xi32>,
    return
  }
}

module attributes {stable_mosaic.version = 14 : i64} {
  func.func @body(%arg0: memref<32x32768xi32, #tpu.memory_space<vmem>>, %arg1: memref<1x128xi32, #tpu.memory_space<vmem>>) attributes {dimension_semantics = [], scalar_prefetch = 0 : i64, scratch_operands = 0 : i64, tpu.core_type = #tpu.core_type<tc>} {
    %get3A = arith.constant 0 : index
    %get3A_0 = arith.constant 0 : index
    %get3A_1 = vector.load %arg0[%get3A, %get3A_0] : memref<32x32768xi32, #tpu.memory_space<vmem>>, vector<32x32768xi32>
    %reduce_sum3A = arith.constant dense<0> : vector<32768xi32>
    %reduce_sum3A_2 = vector.multi_reduction <add>, %get3A_1, %reduce_sum3A [0] : vector<32x32768xi32> to vector<32768xi32>
    %broadcast_in_dim3A = vector.shape_cast %reduce_sum3A_2 : vector<32768xi32> to vector<1x32768xi32>
    %iota3A = tpu.iota {dimensions = array<i32: 1>} : vector<1x32768xi32>
    %shift_right_arithmetic3A = arith.constant 4 : i32
    %shift_right_arithmetic3A_3 = vector.broadcast %shift_right_arithmetic3A : i32 to vector<1x32768xi32>
    %shift_right_arithmetic3A_4 = arith.shrsi %iota3A, %shift_right_arithmetic3A_3 : vector<1x32768xi32>
    %scan3A = arith.constant 8192 : i32
    %scan3A_5 = arith.constant 0 : i32
    %scan3A_6 = arith.constant 2048 : i32
    %scan3A_7 = arith.constant 0 : i32
    %scan3A_8 = arith.constant 12 : i32
    %scan3A_9 = arith.addi %scan3A_7, %scan3A_8 : i32
    %scan3A_10 = arith.constant 1 : i32
    %scan3A_11:2 = scf.for %scan3A_48 = %scan3A_7 to %scan3A_9 step %scan3A_10 iter_args(%scan3A_49 = %scan3A_5, %scan3A_50 = %scan3A_6) -> (i32, i32)  : i32 {
      %add3A_51 = arith.addi %scan3A_49, %scan3A_50 : i32
      %jit3A_52 = arith.constant 2 : i32
      %div3A = arith.divsi %add3A_51, %jit3A_52 : i32
      %sign3A = arith.constant 0 : i32
      %sign3A_53 = arith.cmpi sgt, %add3A_51, %sign3A : i32
      %sign3A_54 = arith.extui %sign3A_53 : i1 to i32
      %sign3A_55 = arith.constant 0 : i32
      %sign3A_56 = arith.cmpi slt, %add3A_51, %sign3A_55 : i32
      %sign3A_57 = arith.extui %sign3A_56 : i1 to i32
      %sign3A_58 = arith.subi %sign3A_54, %sign3A_57 : i32
      %sign3A_59 = arith.constant 0 : i32
      %sign3A_60 = arith.cmpi sgt, %jit3A_52, %sign3A_59 : i32
      %sign3A_61 = arith.extui %sign3A_60 : i1 to i32
      %sign3A_62 = arith.constant 0 : i32
      %sign3A_63 = arith.cmpi slt, %jit3A_52, %sign3A_62 : i32
      %sign3A_64 = arith.extui %sign3A_63 : i1 to i32
      %sign3A_65 = arith.subi %sign3A_61, %sign3A_64 : i32
      %ne3A = arith.cmpi ne, %sign3A_58, %sign3A_65 : i32
      %rem3A = arith.remsi %add3A_51, %jit3A_52 : i32
      %ne3A_66 = arith.constant 0 : i32
      %ne3A_67 = arith.cmpi ne, %rem3A, %ne3A_66 : i32
      %and3A = arith.andi %ne3A, %ne3A_67 : i1
      %sub3A_68 = arith.constant 1 : i32
      %sub3A_69 = arith.subi %div3A, %sub3A_68 : i32
      %select_n3A_70 = arith.select %and3A, %sub3A_69, %div3A : i32
      %ge3A_71 = vector.broadcast %select_n3A_70 : i32 to vector<1x32768xi32>
      %ge3A_72 = arith.cmpi sge, %shift_right_arithmetic3A_4, %ge3A_71 : vector<1x32768xi32>
      %jit3A_73 = arith.constant 0 : i32
      %broadcast_in_dim3A_74 = vector.broadcast %jit3A_73 : i32 to vector<1x32768xi32>
      %select_n3A_75 = arith.select %ge3A_72, %broadcast_in_dim3A, %broadcast_in_dim3A_74 : vector<1x32768xi1>, vector<1x32768xi32>
      %reduce_sum3A_76 = vector.shape_cast %select_n3A_75 : vector<1x32768xi32> to vector<1x1x32768xi32>
      %reduce_sum3A_77 = arith.constant dense<0> : vector<1xi32>
      %reduce_sum3A_78 = vector.multi_reduction <add>, %reduce_sum3A_76, %reduce_sum3A_77 [1, 2] : vector<1x1x32768xi32> to vector<1xi32>
      %reduce_sum3A_79 = vector.shape_cast %reduce_sum3A_78 : vector<1xi32> to vector<1x1x1xi32>
      %reduce_sum3A_80 = vector.extract %reduce_sum3A_79[0, 0, 0] : i32 from vector<1x1x1xi32>
      %ge3A_81 = arith.cmpi sge, %reduce_sum3A_80, %scan3A : i32
      %select_n3A_82 = arith.select %ge3A_81, %select_n3A_70, %scan3A_49 : i32
      %select_n3A_83 = arith.select %ge3A_81, %scan3A_50, %select_n3A_70 : i32
      scf.yield %select_n3A_82, %select_n3A_83 : i32, i32
    }
    %add3A = arith.constant 1 : i32
    %add3A_12 = arith.addi %scan3A_11#0, %add3A : i32
    %ge3A = vector.broadcast %add3A_12 : i32 to vector<1x32768xi32>
    %ge3A_13 = arith.cmpi sge, %shift_right_arithmetic3A_4, %ge3A : vector<1x32768xi32>
    %jit3A = arith.constant 0 : i32
    %broadcast_in_dim3A_14 = vector.broadcast %jit3A : i32 to vector<1x32768xi32>
    %select_n3A = arith.select %ge3A_13, %broadcast_in_dim3A, %broadcast_in_dim3A_14 : vector<1x32768xi1>, vector<1x32768xi32>
    %reduce_sum3A_15 = vector.shape_cast %select_n3A : vector<1x32768xi32> to vector<1x1x32768xi32>
    %reduce_sum3A_16 = arith.constant dense<0> : vector<1xi32>
    %reduce_sum3A_17 = vector.multi_reduction <add>, %reduce_sum3A_15, %reduce_sum3A_16 [1, 2] : vector<1x1x32768xi32> to vector<1xi32>
    %reduce_sum3A_18 = vector.shape_cast %reduce_sum3A_17 : vector<1xi32> to vector<1x1x1xi32>
    %reduce_sum3A_19 = vector.extract %reduce_sum3A_18[0, 0, 0] : i32 from vector<1x1x1xi32>
    %sub3A = arith.constant 8192 : i32
    %sub3A_20 = arith.subi %sub3A, %reduce_sum3A_19 : i32
    %sub3A_21 = arith.constant 1024 : i32
    %sub3A_22 = arith.subi %scan3A_11#0, %sub3A_21 : i32
    %iota3A_23 = tpu.iota {dimensions = array<i32: 1>} : vector<1x128xi32>
    %lt3A = arith.constant 16 : i32
    %lt3A_24 = vector.broadcast %lt3A : i32 to vector<1x128xi32>
    %lt3A_25 = arith.cmpi slt, %iota3A_23, %lt3A_24 : vector<1x128xi32>
    %jit3A_26 = arith.constant 0 : i32
    %broadcast_in_dim3A_27 = vector.broadcast %sub3A_22 : i32 to vector<1x128xi32>
    %broadcast_in_dim3A_28 = vector.broadcast %jit3A_26 : i32 to vector<1x128xi32>
    %select_n3A_29 = arith.select %lt3A_25, %broadcast_in_dim3A_27, %broadcast_in_dim3A_28 : vector<1x128xi1>, vector<1x128xi32>
    %eq3A = arith.constant 16 : i32
    %eq3A_30 = vector.broadcast %eq3A : i32 to vector<1x128xi32>
    %eq3A_31 = arith.cmpi eq, %iota3A_23, %eq3A_30 : vector<1x128xi32>
    %jit3A_32 = arith.constant 0 : i32
    %broadcast_in_dim3A_33 = vector.broadcast %sub3A_20 : i32 to vector<1x128xi32>
    %broadcast_in_dim3A_34 = vector.broadcast %jit3A_32 : i32 to vector<1x128xi32>
    %select_n3A_35 = arith.select %eq3A_31, %broadcast_in_dim3A_33, %broadcast_in_dim3A_34 : vector<1x128xi1>, vector<1x128xi32>
    %add3A_36 = arith.addi %select_n3A_29, %select_n3A_35 : vector<1x128xi32>
    %eq3A_37 = arith.constant 17 : i32
    %eq3A_38 = vector.broadcast %eq3A_37 : i32 to vector<1x128xi32>
    %eq3A_39 = arith.cmpi eq, %iota3A_23, %eq3A_38 : vector<1x128xi32>
    %jit3A_40 = arith.constant 0 : i32
    %jit3A_41 = arith.constant 0 : i32
    %broadcast_in_dim3A_42 = vector.broadcast %jit3A_40 : i32 to vector<1x128xi32>
    %broadcast_in_dim3A_43 = vector.broadcast %jit3A_41 : i32 to vector<1x128xi32>
    %select_n3A_44 = arith.select %eq3A_39, %broadcast_in_dim3A_42, %broadcast_in_dim3A_43 : vector<1x128xi1>, vector<1x128xi32>
    %add3A_45 = arith.addi %add3A_36, %select_n3A_44 : vector<1x128xi32>
    %swap3A = arith.constant 0 : index
    %swap3A_46 = arith.constant 0 : index
    %swap3A_47 = vector.load %arg1[%swap3A, %swap3A_46] : memref<1x128xi32, #tpu.memory_space<vmem>>, vector<1x128xi32>
    tpu.vector_store %arg1[%swap3A, %swap3A_46], %add3A_45 {strides = array<i32>} : memref<1x128xi32, #tpu.memory_space<vmem>>, vector<1x128xi32>,
    return
  }
}

module attributes {stable_mosaic.version = 14 : i64} {
  func.func @body(%arg0: memref<32x16384xi32, #tpu.memory_space<vmem>>, %arg1: memref<1x128xi32, #tpu.memory_space<smem>>, %arg2: memref<1x128xi32, #tpu.memory_space<vmem>>) attributes {dimension_semantics = [], scalar_prefetch = 0 : i64, scratch_operands = 0 : i64, tpu.core_type = #tpu.core_type<tc>} {
    %get3A = arith.constant 0 : index
    %get3A_0 = arith.constant 16 : index
    %get3A_1 = memref.load %arg1[%get3A, %get3A_0] : memref<1x128xi32, #tpu.memory_space<smem>>
    %get3A_2 = arith.constant 0 : index
    %get3A_3 = arith.constant 0 : index
    %get3A_4 = vector.load %arg0[%get3A_2, %get3A_3] : memref<32x16384xi32, #tpu.memory_space<vmem>>, vector<32x16384xi32>
    %reduce_sum3A = arith.constant dense<0> : vector<16384xi32>
    %reduce_sum3A_5 = vector.multi_reduction <add>, %get3A_4, %reduce_sum3A [0] : vector<32x16384xi32> to vector<16384xi32>
    %broadcast_in_dim3A = vector.shape_cast %reduce_sum3A_5 : vector<16384xi32> to vector<1x16384xi32>
    %iota3A = tpu.iota {dimensions = array<i32: 1>} : vector<1x16384xi32>
    %shift_right_arithmetic3A = arith.constant 4 : i32
    %shift_right_arithmetic3A_6 = vector.broadcast %shift_right_arithmetic3A : i32 to vector<1x16384xi32>
    %shift_right_arithmetic3A_7 = arith.shrsi %iota3A, %shift_right_arithmetic3A_6 : vector<1x16384xi32>
    %scan3A = arith.constant 0 : i32
    %scan3A_8 = arith.constant 1024 : i32
    %scan3A_9 = arith.constant 0 : i32
    %scan3A_10 = arith.constant 12 : i32
    %scan3A_11 = arith.addi %scan3A_9, %scan3A_10 : i32
    %scan3A_12 = arith.constant 1 : i32
    %scan3A_13:2 = scf.for %scan3A_63 = %scan3A_9 to %scan3A_11 step %scan3A_12 iter_args(%scan3A_64 = %scan3A, %scan3A_65 = %scan3A_8) -> (i32, i32)  : i32 {
      %add3A_66 = arith.addi %scan3A_64, %scan3A_65 : i32
      %jit3A_67 = arith.constant 2 : i32
      %div3A = arith.divsi %add3A_66, %jit3A_67 : i32
      %sign3A = arith.constant 0 : i32
      %sign3A_68 = arith.cmpi sgt, %add3A_66, %sign3A : i32
      %sign3A_69 = arith.extui %sign3A_68 : i1 to i32
      %sign3A_70 = arith.constant 0 : i32
      %sign3A_71 = arith.cmpi slt, %add3A_66, %sign3A_70 : i32
      %sign3A_72 = arith.extui %sign3A_71 : i1 to i32
      %sign3A_73 = arith.subi %sign3A_69, %sign3A_72 : i32
      %sign3A_74 = arith.constant 0 : i32
      %sign3A_75 = arith.cmpi sgt, %jit3A_67, %sign3A_74 : i32
      %sign3A_76 = arith.extui %sign3A_75 : i1 to i32
      %sign3A_77 = arith.constant 0 : i32
      %sign3A_78 = arith.cmpi slt, %jit3A_67, %sign3A_77 : i32
      %sign3A_79 = arith.extui %sign3A_78 : i1 to i32
      %sign3A_80 = arith.subi %sign3A_76, %sign3A_79 : i32
      %ne3A = arith.cmpi ne, %sign3A_73, %sign3A_80 : i32
      %rem3A = arith.remsi %add3A_66, %jit3A_67 : i32
      %ne3A_81 = arith.constant 0 : i32
      %ne3A_82 = arith.cmpi ne, %rem3A, %ne3A_81 : i32
      %and3A = arith.andi %ne3A, %ne3A_82 : i1
      %sub3A_83 = arith.constant 1 : i32
      %sub3A_84 = arith.subi %div3A, %sub3A_83 : i32
      %select_n3A_85 = arith.select %and3A, %sub3A_84, %div3A : i32
      %ge3A_86 = vector.broadcast %select_n3A_85 : i32 to vector<1x16384xi32>
      %ge3A_87 = arith.cmpi sge, %shift_right_arithmetic3A_7, %ge3A_86 : vector<1x16384xi32>
      %jit3A_88 = arith.constant 0 : i32
      %broadcast_in_dim3A_89 = vector.broadcast %jit3A_88 : i32 to vector<1x16384xi32>
      %select_n3A_90 = arith.select %ge3A_87, %broadcast_in_dim3A, %broadcast_in_dim3A_89 : vector<1x16384xi1>, vector<1x16384xi32>
      %reduce_sum3A_91 = vector.shape_cast %select_n3A_90 : vector<1x16384xi32> to vector<1x1x16384xi32>
      %reduce_sum3A_92 = arith.constant dense<0> : vector<1xi32>
      %reduce_sum3A_93 = vector.multi_reduction <add>, %reduce_sum3A_91, %reduce_sum3A_92 [1, 2] : vector<1x1x16384xi32> to vector<1xi32>
      %reduce_sum3A_94 = vector.shape_cast %reduce_sum3A_93 : vector<1xi32> to vector<1x1x1xi32>
      %reduce_sum3A_95 = vector.extract %reduce_sum3A_94[0, 0, 0] : i32 from vector<1x1x1xi32>
      %ge3A_96 = arith.cmpi sge, %reduce_sum3A_95, %get3A_1 : i32
      %select_n3A_97 = arith.select %ge3A_96, %select_n3A_85, %scan3A_64 : i32
      %select_n3A_98 = arith.select %ge3A_96, %scan3A_65, %select_n3A_85 : i32
      scf.yield %select_n3A_97, %select_n3A_98 : i32, i32
    }
    %add3A = arith.constant 1 : i32
    %add3A_14 = arith.addi %scan3A_13#0, %add3A : i32
    %ge3A = vector.broadcast %add3A_14 : i32 to vector<1x16384xi32>
    %ge3A_15 = arith.cmpi sge, %shift_right_arithmetic3A_7, %ge3A : vector<1x16384xi32>
    %jit3A = arith.constant 0 : i32
    %broadcast_in_dim3A_16 = vector.broadcast %jit3A : i32 to vector<1x16384xi32>
    %select_n3A = arith.select %ge3A_15, %broadcast_in_dim3A, %broadcast_in_dim3A_16 : vector<1x16384xi1>, vector<1x16384xi32>
    %reduce_sum3A_17 = vector.shape_cast %select_n3A : vector<1x16384xi32> to vector<1x1x16384xi32>
    %reduce_sum3A_18 = arith.constant dense<0> : vector<1xi32>
    %reduce_sum3A_19 = vector.multi_reduction <add>, %reduce_sum3A_17, %reduce_sum3A_18 [1, 2] : vector<1x1x16384xi32> to vector<1xi32>
    %reduce_sum3A_20 = vector.shape_cast %reduce_sum3A_19 : vector<1xi32> to vector<1x1x1xi32>
    %reduce_sum3A_21 = vector.extract %reduce_sum3A_20[0, 0, 0] : i32 from vector<1x1x1xi32>
    %sub3A = arith.subi %get3A_1, %reduce_sum3A_21 : i32
    %ge3A_22 = vector.broadcast %scan3A_13#0 : i32 to vector<1x16384xi32>
    %ge3A_23 = arith.cmpi sge, %shift_right_arithmetic3A_7, %ge3A_22 : vector<1x16384xi32>
    %jit3A_24 = arith.constant 0 : i32
    %broadcast_in_dim3A_25 = vector.broadcast %jit3A_24 : i32 to vector<1x16384xi32>
    %select_n3A_26 = arith.select %ge3A_23, %broadcast_in_dim3A, %broadcast_in_dim3A_25 : vector<1x16384xi1>, vector<1x16384xi32>
    %reduce_sum3A_27 = vector.shape_cast %select_n3A_26 : vector<1x16384xi32> to vector<1x1x16384xi32>
    %reduce_sum3A_28 = arith.constant dense<0> : vector<1xi32>
    %reduce_sum3A_29 = vector.multi_reduction <add>, %reduce_sum3A_27, %reduce_sum3A_28 [1, 2] : vector<1x1x16384xi32> to vector<1xi32>
    %reduce_sum3A_30 = vector.shape_cast %reduce_sum3A_29 : vector<1xi32> to vector<1x1x1xi32>
    %reduce_sum3A_31 = vector.extract %reduce_sum3A_30[0, 0, 0] : i32 from vector<1x1x1xi32>
    %sub3A_32 = arith.subi %reduce_sum3A_31, %reduce_sum3A_21 : i32
    %get3A_33 = arith.constant 0 : index
    %get3A_34 = arith.constant 0 : index
    %get3A_35 = memref.load %arg1[%get3A_33, %get3A_34] : memref<1x128xi32, #tpu.memory_space<smem>>
    %mul3A = arith.constant 1024 : i32
    %mul3A_36 = arith.muli %get3A_35, %mul3A : i32
    %add3A_37 = arith.addi %mul3A_36, %scan3A_13#0 : i32
    %lt3A = arith.cmpi slt, %sub3A, %sub3A_32 : i32
    %convert_element_type3A = arith.extui %lt3A : i1 to i32
    %iota3A_38 = tpu.iota {dimensions = array<i32: 1>} : vector<1x128xi32>
    %lt3A_39 = arith.constant 16 : i32
    %lt3A_40 = vector.broadcast %lt3A_39 : i32 to vector<1x128xi32>
    %lt3A_41 = arith.cmpi slt, %iota3A_38, %lt3A_40 : vector<1x128xi32>
    %jit3A_42 = arith.constant 0 : i32
    %broadcast_in_dim3A_43 = vector.broadcast %add3A_37 : i32 to vector<1x128xi32>
    %broadcast_in_dim3A_44 = vector.broadcast %jit3A_42 : i32 to vector<1x128xi32>
    %select_n3A_45 = arith.select %lt3A_41, %broadcast_in_dim3A_43, %broadcast_in_dim3A_44 : vector<1x128xi1>, vector<1x128xi32>
    %eq3A = arith.constant 16 : i32
    %eq3A_46 = vector.broadcast %eq3A : i32 to vector<1x128xi32>
    %eq3A_47 = arith.cmpi eq, %iota3A_38, %eq3A_46 : vector<1x128xi32>
    %jit3A_48 = arith.constant 0 : i32
    %broadcast_in_dim3A_49 = vector.broadcast %sub3A : i32 to vector<1x128xi32>
    %broadcast_in_dim3A_50 = vector.broadcast %jit3A_48 : i32 to vector<1x128xi32>
    %select_n3A_51 = arith.select %eq3A_47, %broadcast_in_dim3A_49, %broadcast_in_dim3A_50 : vector<1x128xi1>, vector<1x128xi32>
    %add3A_52 = arith.addi %select_n3A_45, %select_n3A_51 : vector<1x128xi32>
    %eq3A_53 = arith.constant 17 : i32
    %eq3A_54 = vector.broadcast %eq3A_53 : i32 to vector<1x128xi32>
    %eq3A_55 = arith.cmpi eq, %iota3A_38, %eq3A_54 : vector<1x128xi32>
    %jit3A_56 = arith.constant 0 : i32
    %broadcast_in_dim3A_57 = vector.broadcast %convert_element_type3A : i32 to vector<1x128xi32>
    %broadcast_in_dim3A_58 = vector.broadcast %jit3A_56 : i32 to vector<1x128xi32>
    %select_n3A_59 = arith.select %eq3A_55, %broadcast_in_dim3A_57, %broadcast_in_dim3A_58 : vector<1x128xi1>, vector<1x128xi32>
    %add3A_60 = arith.addi %add3A_52, %select_n3A_59 : vector<1x128xi32>
    %swap3A = arith.constant 0 : index
    %swap3A_61 = arith.constant 0 : index
    %swap3A_62 = vector.load %arg2[%swap3A, %swap3A_61] : memref<1x128xi32, #tpu.memory_space<vmem>>, vector<1x128xi32>
    tpu.vector_store %arg2[%swap3A, %swap3A_61], %add3A_60 {strides = array<i32>} : memref<1x128xi32, #tpu.memory_space<vmem>>, vector<1x128xi32>,
    return
  }
}

module attributes {stable_mosaic.version = 14 : i64} {
  func.func @_tc_out_body(%arg0: i32, %arg1: memref<8x32768xf32, #tpu.memory_space<vmem>>, %arg2: memref<1x128xi32, #tpu.memory_space<smem>>, %arg3: memref<8x32768xf32, #tpu.memory_space<vmem>>, %arg4: memref<1xi32, #tpu.memory_space<smem>>) attributes {dimension_semantics = [#tpu.dimension_semantics<arbitrary>], iteration_bounds = array<i64: 16>, scalar_prefetch = 0 : i64, scratch_operands = 1 : i64, tpu.core_type = #tpu.core_type<tc>, window_params = [{transform_indices = @transform_0, window_bounds = array<i64: 8, 32768>}, {transform_indices = @transform_1, window_bounds = array<i64: 1, 128>}, {transform_indices = @transform_2, window_bounds = array<i64: 8, 32768>}]} {
    %get3A = arith.constant 0 : index
    %get3A_0 = arith.constant 0 : index
    %get3A_1 = memref.load %arg2[%get3A, %get3A_0] : memref<1x128xi32, #tpu.memory_space<smem>>
    %get3A_2 = arith.constant 0 : index
    %get3A_3 = arith.constant 16 : index
    %get3A_4 = memref.load %arg2[%get3A_2, %get3A_3] : memref<1x128xi32, #tpu.memory_space<smem>>
    %get3A_5 = arith.constant 0 : index
    %get3A_6 = arith.constant 17 : index
    %get3A_7 = memref.load %arg2[%get3A_5, %get3A_6] : memref<1x128xi32, #tpu.memory_space<smem>>
    %eq3A = arith.constant 0 : i32
    %eq3A_8 = arith.cmpi eq, %arg0, %eq3A : i32
    %convert_element_type3A = arith.extui %eq3A_8 : i1 to i32
    %cond3A = arith.constant 0 : i32
    %cond3A_9 = arith.cmpi ne, %convert_element_type3A, %cond3A : i32
    scf.if %cond3A_9 {
      %swap3A = arith.constant 0 : i32
      %swap3A_26 = arith.constant 0 : index
      %swap3A_27 = memref.load %arg4[%swap3A_26] : memref<1xi32, #tpu.memory_space<smem>>
      memref.store %swap3A, %arg4[%swap3A_26] : memref<1xi32, #tpu.memory_space<smem>>
    } else {
    }
    %get3A_10 = arith.constant 0 : index
    %get3A_11 = arith.constant 0 : index
    %get3A_12 = vector.load %arg1[%get3A_10, %get3A_11] : memref<8x32768xf32, #tpu.memory_space<vmem>>, vector<8x32768xf32>
    %bitcast_convert_type3A = tpu.bitcast %get3A_12 : vector<8x32768xf32> -> vector<8x32768xi32>
    %shift_right_arithmetic3A = arith.constant 31 : i32
    %shift_right_arithmetic3A_13 = vector.broadcast %shift_right_arithmetic3A : i32 to vector<8x32768xi32>
    %shift_right_arithmetic3A_14 = arith.shrsi %bitcast_convert_type3A, %shift_right_arithmetic3A_13 : vector<8x32768xi32>
    %and3A = arith.constant 2147483647 : i32
    %and3A_15 = vector.broadcast %and3A : i32 to vector<8x32768xi32>
    %and3A_16 = arith.andi %shift_right_arithmetic3A_14, %and3A_15 : vector<8x32768xi32>
    %xor3A = arith.xori %bitcast_convert_type3A, %and3A_16 : vector<8x32768xi32>
    %eq3A_17 = arith.constant 0 : i32
    %eq3A_18 = arith.cmpi eq, %get3A_7, %eq3A_17 : i32
    %convert_element_type3A_19 = arith.extui %eq3A_18 : i1 to i32
    %cond3A_20 = arith.constant 0 : i32
    %cond3A_21 = arith.cmpi ne, %convert_element_type3A_19, %cond3A_20 : i32
    scf.if %cond3A_21 {
      %ge3A = vector.broadcast %get3A_1 : i32 to vector<8x32768xi32>
      %ge3A_26 = arith.cmpi sge, %xor3A, %ge3A : vector<8x32768xi32>
      %jit3A = arith.constant 0.000000e+00 : f32
      %broadcast_in_dim3A = vector.broadcast %jit3A : f32 to vector<8x32768xf32>
      %select_n3A = arith.select %ge3A_26, %get3A_12, %broadcast_in_dim3A : vector<8x32768xi1>, vector<8x32768xf32>
      %swap3A = arith.constant 0 : index
      %swap3A_27 = arith.constant 0 : index
      %swap3A_28 = vector.load %arg3[%swap3A, %swap3A_27] : memref<8x32768xf32, #tpu.memory_space<vmem>>, vector<8x32768xf32>
      tpu.vector_store %arg3[%swap3A, %swap3A_27], %select_n3A {strides = array<i32>} : memref<8x32768xf32, #tpu.memory_space<vmem>>, vector<8x32768xf32>,
    } else {
    }
    %ne3A = arith.constant 0 : i32
    %ne3A_22 = arith.cmpi ne, %get3A_7, %ne3A : i32
    %convert_element_type3A_23 = arith.extui %ne3A_22 : i1 to i32
    %cond3A_24 = arith.constant 0 : i32
    %cond3A_25 = arith.cmpi ne, %convert_element_type3A_23, %cond3A_24 : i32
    scf.if %cond3A_25 {
      %eq3A_26 = vector.broadcast %get3A_1 : i32 to vector<8x32768xi32>
      %eq3A_27 = arith.cmpi eq, %xor3A, %eq3A_26 : vector<8x32768xi32>
      %convert_element_type3A_28 = arith.extui %eq3A_27 : vector<8x32768xi1> to vector<8x32768xi32>
      %iota3A = tpu.iota {dimensions = array<i32: 1>} : vector<8x32768xi32>
      %ge3A = arith.constant 1 : i32
      %ge3A_29 = vector.broadcast %ge3A : i32 to vector<8x32768xi32>
      %ge3A_30 = arith.cmpi sge, %iota3A, %ge3A_29 : vector<8x32768xi32>
      %roll3A = arith.constant 1 : i32
      %roll3A_31 = tpu.dynamic_rotate %convert_element_type3A_28 by %roll3A dim 1 : vector<8x32768xi32>, i32 -> vector<8x32768xi32>
      %jit3A = arith.constant 0 : i32
      %broadcast_in_dim3A = vector.broadcast %jit3A : i32 to vector<8x32768xi32>
      %select_n3A = arith.select %ge3A_30, %roll3A_31, %broadcast_in_dim3A : vector<8x32768xi1>, vector<8x32768xi32>
      %add3A = arith.addi %convert_element_type3A_28, %select_n3A : vector<8x32768xi32>
      %ge3A_32 = arith.constant 2 : i32
      %ge3A_33 = vector.broadcast %ge3A_32 : i32 to vector<8x32768xi32>
      %ge3A_34 = arith.cmpi sge, %iota3A, %ge3A_33 : vector<8x32768xi32>
      %roll3A_35 = arith.constant 2 : i32
      %roll3A_36 = tpu.dynamic_rotate %add3A by %roll3A_35 dim 1 : vector<8x32768xi32>, i32 -> vector<8x32768xi32>
      %jit3A_37 = arith.constant 0 : i32
      %broadcast_in_dim3A_38 = vector.broadcast %jit3A_37 : i32 to vector<8x32768xi32>
      %select_n3A_39 = arith.select %ge3A_34, %roll3A_36, %broadcast_in_dim3A_38 : vector<8x32768xi1>, vector<8x32768xi32>
      %add3A_40 = arith.addi %add3A, %select_n3A_39 : vector<8x32768xi32>
      %ge3A_41 = arith.constant 4 : i32
      %ge3A_42 = vector.broadcast %ge3A_41 : i32 to vector<8x32768xi32>
      %ge3A_43 = arith.cmpi sge, %iota3A, %ge3A_42 : vector<8x32768xi32>
      %roll3A_44 = arith.constant 4 : i32
      %roll3A_45 = tpu.dynamic_rotate %add3A_40 by %roll3A_44 dim 1 : vector<8x32768xi32>, i32 -> vector<8x32768xi32>
      %jit3A_46 = arith.constant 0 : i32
      %broadcast_in_dim3A_47 = vector.broadcast %jit3A_46 : i32 to vector<8x32768xi32>
      %select_n3A_48 = arith.select %ge3A_43, %roll3A_45, %broadcast_in_dim3A_47 : vector<8x32768xi1>, vector<8x32768xi32>
      %add3A_49 = arith.addi %add3A_40, %select_n3A_48 : vector<8x32768xi32>
      %ge3A_50 = arith.constant 8 : i32
      %ge3A_51 = vector.broadcast %ge3A_50 : i32 to vector<8x32768xi32>
      %ge3A_52 = arith.cmpi sge, %iota3A, %ge3A_51 : vector<8x32768xi32>
      %roll3A_53 = arith.constant 8 : i32
      %roll3A_54 = tpu.dynamic_rotate %add3A_49 by %roll3A_53 dim 1 : vector<8x32768xi32>, i32 -> vector<8x32768xi32>
      %jit3A_55 = arith.constant 0 : i32
      %broadcast_in_dim3A_56 = vector.broadcast %jit3A_55 : i32 to vector<8x32768xi32>
      %select_n3A_57 = arith.select %ge3A_52, %roll3A_54, %broadcast_in_dim3A_56 : vector<8x32768xi1>, vector<8x32768xi32>
      %add3A_58 = arith.addi %add3A_49, %select_n3A_57 : vector<8x32768xi32>
      %ge3A_59 = arith.constant 16 : i32
      %ge3A_60 = vector.broadcast %ge3A_59 : i32 to vector<8x32768xi32>
      %ge3A_61 = arith.cmpi sge, %iota3A, %ge3A_60 : vector<8x32768xi32>
      %roll3A_62 = arith.constant 16 : i32
      %roll3A_63 = tpu.dynamic_rotate %add3A_58 by %roll3A_62 dim 1 : vector<8x32768xi32>, i32 -> vector<8x32768xi32>
      %jit3A_64 = arith.constant 0 : i32
      %broadcast_in_dim3A_65 = vector.broadcast %jit3A_64 : i32 to vector<8x32768xi32>
      %select_n3A_66 = arith.select %ge3A_61, %roll3A_63, %broadcast_in_dim3A_65 : vector<8x32768xi1>, vector<8x32768xi32>
      %add3A_67 = arith.addi %add3A_58, %select_n3A_66 : vector<8x32768xi32>
      %ge3A_68 = arith.constant 32 : i32
      %ge3A_69 = vector.broadcast %ge3A_68 : i32 to vector<8x32768xi32>
      %ge3A_70 = arith.cmpi sge, %iota3A, %ge3A_69 : vector<8x32768xi32>
      %roll3A_71 = arith.constant 32 : i32
      %roll3A_72 = tpu.dynamic_rotate %add3A_67 by %roll3A_71 dim 1 : vector<8x32768xi32>, i32 -> vector<8x32768xi32>
      %jit3A_73 = arith.constant 0 : i32
      %broadcast_in_dim3A_74 = vector.broadcast %jit3A_73 : i32 to vector<8x32768xi32>
      %select_n3A_75 = arith.select %ge3A_70, %roll3A_72, %broadcast_in_dim3A_74 : vector<8x32768xi1>, vector<8x32768xi32>
      %add3A_76 = arith.addi %add3A_67, %select_n3A_75 : vector<8x32768xi32>
      %ge3A_77 = arith.constant 64 : i32
      %ge3A_78 = vector.broadcast %ge3A_77 : i32 to vector<8x32768xi32>
      %ge3A_79 = arith.cmpi sge, %iota3A, %ge3A_78 : vector<8x32768xi32>
      %roll3A_80 = arith.constant 64 : i32
      %roll3A_81 = tpu.dynamic_rotate %add3A_76 by %roll3A_80 dim 1 : vector<8x32768xi32>, i32 -> vector<8x32768xi32>
      %jit3A_82 = arith.constant 0 : i32
      %broadcast_in_dim3A_83 = vector.broadcast %jit3A_82 : i32 to vector<8x32768xi32>
      %select_n3A_84 = arith.select %ge3A_79, %roll3A_81, %broadcast_in_dim3A_83 : vector<8x32768xi1>, vector<8x32768xi32>
      %add3A_85 = arith.addi %add3A_76, %select_n3A_84 : vector<8x32768xi32>
      %ge3A_86 = arith.constant 128 : i32
      %ge3A_87 = vector.broadcast %ge3A_86 : i32 to vector<8x32768xi32>
      %ge3A_88 = arith.cmpi sge, %iota3A, %ge3A_87 : vector<8x32768xi32>
      %roll3A_89 = arith.constant 128 : i32
      %roll3A_90 = tpu.dynamic_rotate %add3A_85 by %roll3A_89 dim 1 : vector<8x32768xi32>, i32 -> vector<8x32768xi32>
      %jit3A_91 = arith.constant 0 : i32
      %broadcast_in_dim3A_92 = vector.broadcast %jit3A_91 : i32 to vector<8x32768xi32>
      %select_n3A_93 = arith.select %ge3A_88, %roll3A_90, %broadcast_in_dim3A_92 : vector<8x32768xi1>, vector<8x32768xi32>
      %add3A_94 = arith.addi %add3A_85, %select_n3A_93 : vector<8x32768xi32>
      %ge3A_95 = arith.constant 256 : i32
      %ge3A_96 = vector.broadcast %ge3A_95 : i32 to vector<8x32768xi32>
      %ge3A_97 = arith.cmpi sge, %iota3A, %ge3A_96 : vector<8x32768xi32>
      %roll3A_98 = arith.constant 256 : i32
      %roll3A_99 = tpu.dynamic_rotate %add3A_94 by %roll3A_98 dim 1 : vector<8x32768xi32>, i32 -> vector<8x32768xi32>
      %jit3A_100 = arith.constant 0 : i32
      %broadcast_in_dim3A_101 = vector.broadcast %jit3A_100 : i32 to vector<8x32768xi32>
      %select_n3A_102 = arith.select %ge3A_97, %roll3A_99, %broadcast_in_dim3A_101 : vector<8x32768xi1>, vector<8x32768xi32>
      %add3A_103 = arith.addi %add3A_94, %select_n3A_102 : vector<8x32768xi32>
      %ge3A_104 = arith.constant 512 : i32
      %ge3A_105 = vector.broadcast %ge3A_104 : i32 to vector<8x32768xi32>
      %ge3A_106 = arith.cmpi sge, %iota3A, %ge3A_105 : vector<8x32768xi32>
      %roll3A_107 = arith.constant 512 : i32
      %roll3A_108 = tpu.dynamic_rotate %add3A_103 by %roll3A_107 dim 1 : vector<8x32768xi32>, i32 -> vector<8x32768xi32>
      %jit3A_109 = arith.constant 0 : i32
      %broadcast_in_dim3A_110 = vector.broadcast %jit3A_109 : i32 to vector<8x32768xi32>
      %select_n3A_111 = arith.select %ge3A_106, %roll3A_108, %broadcast_in_dim3A_110 : vector<8x32768xi1>, vector<8x32768xi32>
      %add3A_112 = arith.addi %add3A_103, %select_n3A_111 : vector<8x32768xi32>
      %ge3A_113 = arith.constant 1024 : i32
      %ge3A_114 = vector.broadcast %ge3A_113 : i32 to vector<8x32768xi32>
      %ge3A_115 = arith.cmpi sge, %iota3A, %ge3A_114 : vector<8x32768xi32>
      %roll3A_116 = arith.constant 1024 : i32
      %roll3A_117 = tpu.dynamic_rotate %add3A_112 by %roll3A_116 dim 1 : vector<8x32768xi32>, i32 -> vector<8x32768xi32>
      %jit3A_118 = arith.constant 0 : i32
      %broadcast_in_dim3A_119 = vector.broadcast %jit3A_118 : i32 to vector<8x32768xi32>
      %select_n3A_120 = arith.select %ge3A_115, %roll3A_117, %broadcast_in_dim3A_119 : vector<8x32768xi1>, vector<8x32768xi32>
      %add3A_121 = arith.addi %add3A_112, %select_n3A_120 : vector<8x32768xi32>
      %ge3A_122 = arith.constant 2048 : i32
      %ge3A_123 = vector.broadcast %ge3A_122 : i32 to vector<8x32768xi32>
      %ge3A_124 = arith.cmpi sge, %iota3A, %ge3A_123 : vector<8x32768xi32>
      %roll3A_125 = arith.constant 2048 : i32
      %roll3A_126 = tpu.dynamic_rotate %add3A_121 by %roll3A_125 dim 1 : vector<8x32768xi32>, i32 -> vector<8x32768xi32>
      %jit3A_127 = arith.constant 0 : i32
      %broadcast_in_dim3A_128 = vector.broadcast %jit3A_127 : i32 to vector<8x32768xi32>
      %select_n3A_129 = arith.select %ge3A_124, %roll3A_126, %broadcast_in_dim3A_128 : vector<8x32768xi1>, vector<8x32768xi32>
      %add3A_130 = arith.addi %add3A_121, %select_n3A_129 : vector<8x32768xi32>
      %ge3A_131 = arith.constant 4096 : i32
      %ge3A_132 = vector.broadcast %ge3A_131 : i32 to vector<8x32768xi32>
      %ge3A_133 = arith.cmpi sge, %iota3A, %ge3A_132 : vector<8x32768xi32>
      %roll3A_134 = arith.constant 4096 : i32
      %roll3A_135 = tpu.dynamic_rotate %add3A_130 by %roll3A_134 dim 1 : vector<8x32768xi32>, i32 -> vector<8x32768xi32>
      %jit3A_136 = arith.constant 0 : i32
      %broadcast_in_dim3A_137 = vector.broadcast %jit3A_136 : i32 to vector<8x32768xi32>
      %select_n3A_138 = arith.select %ge3A_133, %roll3A_135, %broadcast_in_dim3A_137 : vector<8x32768xi1>, vector<8x32768xi32>
      %add3A_139 = arith.addi %add3A_130, %select_n3A_138 : vector<8x32768xi32>
      %ge3A_140 = arith.constant 8192 : i32
      %ge3A_141 = vector.broadcast %ge3A_140 : i32 to vector<8x32768xi32>
      %ge3A_142 = arith.cmpi sge, %iota3A, %ge3A_141 : vector<8x32768xi32>
      %roll3A_143 = arith.constant 8192 : i32
      %roll3A_144 = tpu.dynamic_rotate %add3A_139 by %roll3A_143 dim 1 : vector<8x32768xi32>, i32 -> vector<8x32768xi32>
      %jit3A_145 = arith.constant 0 : i32
      %broadcast_in_dim3A_146 = vector.broadcast %jit3A_145 : i32 to vector<8x32768xi32>
      %select_n3A_147 = arith.select %ge3A_142, %roll3A_144, %broadcast_in_dim3A_146 : vector<8x32768xi1>, vector<8x32768xi32>
      %add3A_148 = arith.addi %add3A_139, %select_n3A_147 : vector<8x32768xi32>
      %ge3A_149 = arith.constant 16384 : i32
      %ge3A_150 = vector.broadcast %ge3A_149 : i32 to vector<8x32768xi32>
      %ge3A_151 = arith.cmpi sge, %iota3A, %ge3A_150 : vector<8x32768xi32>
      %roll3A_152 = arith.constant 16384 : i32
      %roll3A_153 = tpu.dynamic_rotate %add3A_148 by %roll3A_152 dim 1 : vector<8x32768xi32>, i32 -> vector<8x32768xi32>
      %jit3A_154 = arith.constant 0 : i32
      %broadcast_in_dim3A_155 = vector.broadcast %jit3A_154 : i32 to vector<8x32768xi32>
      %select_n3A_156 = arith.select %ge3A_151, %roll3A_153, %broadcast_in_dim3A_155 : vector<8x32768xi1>, vector<8x32768xi32>
      %add3A_157 = arith.addi %add3A_148, %select_n3A_156 : vector<8x32768xi32>
      %slice3A = vector.extract_strided_slice %add3A_157 {offsets = [0, 32767], sizes = [8, 1], strides = [1, 1]} : vector<8x32768xi32> to vector<8x1xi32>
      %iota3A_158 = tpu.iota {dimensions = array<i32: 0>} : vector<8x1xi32>
      %ge3A_159 = arith.constant 1 : i32
      %ge3A_160 = vector.broadcast %ge3A_159 : i32 to vector<8x1xi32>
      %ge3A_161 = arith.cmpi sge, %iota3A_158, %ge3A_160 : vector<8x1xi32>
      %roll3A_162 = arith.constant 1 : i32
      %roll3A_163 = tpu.dynamic_rotate %slice3A by %roll3A_162 dim 0 : vector<8x1xi32>, i32 -> vector<8x1xi32>
      %jit3A_164 = arith.constant 0 : i32
      %broadcast_in_dim3A_165 = vector.broadcast %jit3A_164 : i32 to vector<8x1xi32>
      %select_n3A_166 = arith.select %ge3A_161, %roll3A_163, %broadcast_in_dim3A_165 : vector<8x1xi1>, vector<8x1xi32>
      %add3A_167 = arith.addi %slice3A, %select_n3A_166 : vector<8x1xi32>
      %ge3A_168 = arith.constant 2 : i32
      %ge3A_169 = vector.broadcast %ge3A_168 : i32 to vector<8x1xi32>
      %ge3A_170 = arith.cmpi sge, %iota3A_158, %ge3A_169 : vector<8x1xi32>
      %roll3A_171 = arith.constant 2 : i32
      %roll3A_172 = tpu.dynamic_rotate %add3A_167 by %roll3A_171 dim 0 : vector<8x1xi32>, i32 -> vector<8x1xi32>
      %jit3A_173 = arith.constant 0 : i32
      %broadcast_in_dim3A_174 = vector.broadcast %jit3A_173 : i32 to vector<8x1xi32>
      %select_n3A_175 = arith.select %ge3A_170, %roll3A_172, %broadcast_in_dim3A_174 : vector<8x1xi1>, vector<8x1xi32>
      %add3A_176 = arith.addi %add3A_167, %select_n3A_175 : vector<8x1xi32>
      %ge3A_177 = arith.constant 4 : i32
      %ge3A_178 = vector.broadcast %ge3A_177 : i32 to vector<8x1xi32>
      %ge3A_179 = arith.cmpi sge, %iota3A_158, %ge3A_178 : vector<8x1xi32>
      %roll3A_180 = arith.constant 4 : i32
      %roll3A_181 = tpu.dynamic_rotate %add3A_176 by %roll3A_180 dim 0 : vector<8x1xi32>, i32 -> vector<8x1xi32>
      %jit3A_182 = arith.constant 0 : i32
      %broadcast_in_dim3A_183 = vector.broadcast %jit3A_182 : i32 to vector<8x1xi32>
      %select_n3A_184 = arith.select %ge3A_179, %roll3A_181, %broadcast_in_dim3A_183 : vector<8x1xi1>, vector<8x1xi32>
      %add3A_185 = arith.addi %add3A_176, %select_n3A_184 : vector<8x1xi32>
      %sub3A = arith.subi %add3A_185, %slice3A : vector<8x1xi32>
      %sub3A_186 = arith.subi %add3A_157, %convert_element_type3A_28 : vector<8x32768xi32>
      %add3A_187 = vector.broadcast %sub3A : vector<8x1xi32> to vector<8x32768xi32>
      %add3A_188 = arith.addi %sub3A_186, %add3A_187 : vector<8x32768xi32>
      %get3A_189 = arith.constant 0 : index
      %get3A_190 = memref.load %arg4[%get3A_189] : memref<1xi32, #tpu.memory_space<smem>>
      %add3A_191 = vector.broadcast %get3A_190 : i32 to vector<8x32768xi32>
      %add3A_192 = arith.addi %add3A_188, %add3A_191 : vector<8x32768xi32>
      %gt3A = vector.broadcast %get3A_1 : i32 to vector<8x32768xi32>
      %gt3A_193 = arith.cmpi sgt, %xor3A, %gt3A : vector<8x32768xi32>
      %eq3A_194 = arith.constant 1 : i32
      %eq3A_195 = vector.broadcast %eq3A_194 : i32 to vector<8x32768xi32>
      %eq3A_196 = arith.cmpi eq, %convert_element_type3A_28, %eq3A_195 : vector<8x32768xi32>
      %lt3A = vector.broadcast %get3A_4 : i32 to vector<8x32768xi32>
      %lt3A_197 = arith.cmpi slt, %add3A_192, %lt3A : vector<8x32768xi32>
      %and3A_198 = arith.andi %eq3A_196, %lt3A_197 : vector<8x32768xi1>
      %or3A = arith.ori %gt3A_193, %and3A_198 : vector<8x32768xi1>
      %jit3A_199 = arith.constant 0.000000e+00 : f32
      %broadcast_in_dim3A_200 = vector.broadcast %jit3A_199 : f32 to vector<8x32768xf32>
      %select_n3A_201 = arith.select %or3A, %get3A_12, %broadcast_in_dim3A_200 : vector<8x32768xi1>, vector<8x32768xf32>
      %swap3A = arith.constant 0 : index
      %swap3A_202 = arith.constant 0 : index
      %swap3A_203 = vector.load %arg3[%swap3A, %swap3A_202] : memref<8x32768xf32, #tpu.memory_space<vmem>>, vector<8x32768xf32>
      tpu.vector_store %arg3[%swap3A, %swap3A_202], %select_n3A_201 {strides = array<i32>} : memref<8x32768xf32, #tpu.memory_space<vmem>>, vector<8x32768xf32>,
      %get3A_204 = arith.constant 0 : index
      %get3A_205 = memref.load %arg4[%get3A_204] : memref<1xi32, #tpu.memory_space<smem>>
      %reduce_sum3A = vector.shape_cast %convert_element_type3A_28 : vector<8x32768xi32> to vector<1x8x32768xi32>
      %reduce_sum3A_206 = arith.constant dense<0> : vector<1xi32>
      %reduce_sum3A_207 = vector.multi_reduction <add>, %reduce_sum3A, %reduce_sum3A_206 [1, 2] : vector<1x8x32768xi32> to vector<1xi32>
      %reduce_sum3A_208 = vector.shape_cast %reduce_sum3A_207 : vector<1xi32> to vector<1x1x1xi32>
      %reduce_sum3A_209 = vector.extract %reduce_sum3A_208[0, 0, 0] : i32 from vector<1x1x1xi32>
      %add3A_210 = arith.addi %get3A_205, %reduce_sum3A_209 : i32
      %swap3A_211 = arith.constant 0 : index
      %swap3A_212 = memref.load %arg4[%swap3A_211] : memref<1xi32, #tpu.memory_space<smem>>
      memref.store %add3A_210, %arg4[%swap3A_211] : memref<1xi32, #tpu.memory_space<smem>>
    } else {
    }
    return
  }
  func.func @transform_0(%arg0: i32) -> (i32, i32) {
    %c0_i32 = arith.constant 0 : i32
    %c0_i32_0 = arith.constant 0 : i32
    return %arg0, %c0_i32 : i32, i32
  }
  func.func @transform_1(%arg0: i32) -> (i32, i32) {
    %c0_i32 = arith.constant 0 : i32
    %c0_i32_0 = arith.constant 0 : i32
    %c0_i32_1 = arith.constant 0 : i32
    return %c0_i32, %c0_i32_0 : i32, i32
  }
  func.func @transform_2(%arg0: i32) -> (i32, i32) {
    %c0_i32 = arith.constant 0 : i32
    %c0_i32_0 = arith.constant 0 : i32
    return %arg0, %c0_i32 : i32, i32
  }
}

</mosaic_0001>

<sc_bundles>
// kernel: kernel.12.cloned.1.call-start
scs
__scs_entry_jumppad:
0x0: {  	(pc) =	sbr.rel $0x88, $3  }
0x1: {  	(tag) =	ssettag $0x0;
	lr =	simm.s32 $0x1  }
0x2: {  	[smem:$0x3FA0] =	sst lr;
	_ =	strace $0xD0000000  }
0x3: {  	_ = 	snop  }
0x4: {  	_ = 	snop  }
0x5: {  	_ = 	snop  }
0x6: {  	_ = 	snop  }
0x7: {  	_ = 	snop  }
__scs_overlays_trampoline_lowered:
0x8: {  	[smem:$0x3FAF] =	sst s0  }
0x9: {  	[smem:$0x3FB0] =	sst s1  }
0xa: {  	[smem:$0x3FB1] =	sst s2  }
0xb: {  	[smem:$0x3FB2] =	sst s3  }
0xc: {  	[smem:$0x3FB3] =	sst s4  }
0xd: {  	[smem:$0x3FB4] =	sst s5  }
0xe: {  	[smem:$0x3FB5] =	sst s6  }
0xf: {  	[smem:$0x3FB6] =	sst s7  }
0x10: {  	[smem:$0x3FB7] =	sst s8  }
0x11: {  	[smem:$0x3FB8] =	sst s9;
	s0 =	simm.s32 @!p0 $0x0  }
0x12: {  	s1 =	sld [smem:$0x3F9E];
	s0 =	simm.s32 @p0 $0x1  }
0x13: {  	[smem:$0x3FB9] =	sst s0;
	s0 =	simm.s32 @!p1 $0x0  }
0x14: {  	s2 =	sld [smem:$0x3F9D];
	s0 =	simm.s32 @p1 $0x1  }
0x15: {  	[smem:$0x3FBA] =	sst s0;
	s0 =	simm.s32 @!p2 $0x0  }
0x16: {  	s3 =	sld [smem:$0x3FDB];
	s0 =	simm.s32 @p2 $0x1  }
0x17: {  	s4 =	simm.s32 $0x1BF5;
	[smem:$0x3FBC] =	sst s0  }
0x18: {  	s0 =	sld [smem:$0x3F9F];
	_ =	swait.ge [sflag:s4], $0x0  }
0x19: {  	s7 =	sld [smem:$0x3FA0]  }
0x1a: {  	s8 =	sadd.s32 $0xFFFFE003, lr  }
0x1b: {  	s9 =	sadd.s32 $0xFFFFFEF7, lr;
	s5 =	simm.s32 $0xFFFFFFFF;
	p2 =	slt.u32 s8, $0xFFFFF086  }
0x1c: {  	p1 =	slt.u32 s9, $0xF7A;
	s5 =	simm.s32 @!p2 $0x0  }
0x1d: {  	s5 =	simm.s32 @p1 $0x1;
	p0 =	seq.s32 s7, s2  }
0x1e: {  	s7 =	smul.u32 @!p0 $0xF7A, s2;
	p2 =	seq.s32 @!p0 s5, $0x0  }
0x1f: {  	s9 =	smul.u32 $0xF7A, s1;
	s8 =	simm.s32 @!p0 $0x1BF5;
	p2 =	por !p2, p0  }
0x20: {  	[sflag:s8] =	ssyncset.s32 @!p0 $0xFFFFF086;
	s6 =	sadd.s32 @!p0 s3, s7;
	s7 =	simm.s32 @!p0 $0x108  }
0x21: {  	s3 =	sadd.s32 s3, s9;
	s6 =	sadd.s32 @!p0 $0x88, s6;
	s7 =	simm.s32 @p2 $0x1082  }
0x22: {  	[simem:s7], [sflag:s8] =	dma.local @!p0 [hbm:s6], $0xF7A  }
0x23: {  	s9 =	sor.u32 $0xD0000000, s2;
	s6 =	simm.s32 $0x108;
	_ =	swait.ge @!p0 [sflag:s8], $0x0  }
0x24: {  	s3 =	sadd.s32 $0x88, s3;
	s6 =	simm.s32 @!p1 $0x1082;
	[sflag:s4] =	ssyncset.s32 $0xFFFFF086  }
0x25: {  	[simem:s6], [sflag:s4] =	dma.local [hbm:s3], $0xF7A  }
0x26: {  	[smem:$0x3FA0] =	sst s1;
	(tag) =	ssettag s2;
	_ =	strace s9  }
0x27: {  	s1 =	sld [smem:$0x3FB0]  }
0x28: {  	s2 =	sld [smem:$0x3FB1]  }
0x29: {  	s4 =	sld [smem:$0x3FB3]  }
0x2a: {  	p0 =	seq.s32 s5, $0x0;
	s5 =	sld [smem:$0x3FB4]  }
0x2b: {  	s6 =	sld [smem:$0x3FB5]  }
0x2c: {  	s7 =	sld [smem:$0x3FB6]  }
0x2d: {  	s3 =	simm.s32 $0x108;
	s8 =	sld [smem:$0x3FB7]  }
0x2e: {  	s3 =	simm.s32 @!p0 $0x1082;
	s9 =	sld [smem:$0x3FB8]  }
0x2f: {  	lr =	sadd.s32 s0, s3;
	s0 =	sld [smem:$0x3FAF]  }
0x30: {  	s3 =	sld [smem:$0x3FB2]  }
0x31: {  	[smem:$0x3FBB] =	sst s10  }
0x32: {  	s10 =	sld [smem:$0x3FB9];
	_ =	sdelay $0x3  }
0x33: {  	p0 =	seq.s32 s10, $0x1;
	s10 =	sld [smem:$0x3FBB];
	_ =	sdelay $0x3  }
0x34: {  	[smem:$0x3FBB] =	sst s10  }
0x35: {  	s10 =	sld [smem:$0x3FBA];
	_ =	sdelay $0x3  }
0x36: {  	p1 =	seq.s32 s10, $0x1;
	s10 =	sld [smem:$0x3FBB];
	_ =	sdelay $0x3  }
0x37: {  	[smem:$0x3FBB] =	sst s10  }
0x38: {  	s10 =	sld [smem:$0x3FBC]  }
0x39: {  	_ = 	snop;
	(pc) =	sbr.ind lr, $3  }
0x3a: {  	_ = 	snop  }
0x3b: {  	_ = 	snop  }
0x3c: {  	p2 =	seq.s32 s10, $0x1;
	s10 =	sld [smem:$0x3FBB]  }
0x3d: {  	_ =	shalt  }
0x3e: {  	_ =	shalt  }
0x3f: {  	_ =	shalt  }
0x40: {  	_ =	shalt  }
0x41: {  	_ =	shalt  }
0x42: {  	_ =	shalt  }
0x43: {  	_ =	shalt  }
0x44: {  	_ =	shalt  }
0x45: {  	_ =	shalt  }
0x46: {  	_ =	shalt  }
0x47: {  	_ =	shalt  }
0x48: {  	_ =	shalt  }
0x49: {  	_ =	shalt  }
0x4a: {  	_ =	shalt  }
0x4b: {  	_ =	shalt  }
0x4c: {  	_ =	shalt  }
0x4d: {  	_ =	shalt  }
0x4e: {  	_ =	shalt  }
0x4f: {  	_ =	shalt  }
0x50: {  	_ =	shalt  }
0x51: {  	_ =	shalt  }
0x52: {  	_ =	shalt  }
0x53: {  	_ =	shalt  }
0x54: {  	_ =	shalt  }
0x55: {  	_ =	shalt  }
0x56: {  	_ =	shalt  }
0x57: {  	_ =	shalt  }
0x58: {  	_ =	shalt  }
0x59: {  	_ =	shalt  }
0x5a: {  	_ =	shalt  }
0x5b: {  	_ =	shalt  }
0x5c: {  	_ =	shalt  }
0x5d: {  	_ =	shalt  }
0x5e: {  	_ =	shalt  }
0x5f: {  	_ =	shalt  }
0x60: {  	_ =	shalt  }
0x61: {  	_ =	shalt  }
0x62: {  	_ =	shalt  }
0x63: {  	_ =	shalt  }
0x64: {  	_ =	shalt  }
0x65: {  	_ =	shalt  }
0x66: {  	_ =	shalt  }
0x67: {  	_ =	shalt  }
0x68: {  	_ =	shalt  }
0x69: {  	_ =	shalt  }
0x6a: {  	_ =	shalt  }
0x6b: {  	_ =	shalt  }
0x6c: {  	_ =	shalt  }
0x6d: {  	_ =	shalt  }
0x6e: {  	_ =	shalt  }
0x6f: {  	_ =	shalt  }
0x70: {  	_ =	shalt  }
0x71: {  	_ =	shalt  }
0x72: {  	_ =	shalt  }
0x73: {  	_ =	shalt  }
0x74: {  	_ =	shalt  }
0x75: {  	_ =	shalt  }
0x76: {  	_ =	shalt  }
0x77: {  	_ =	shalt  }
0x78: {  	_ =	shalt  }
0x79: {  	_ =	shalt  }
0x7a: {  	_ =	shalt  }
0x7b: {  	_ =	shalt  }
0x7c: {  	_ =	shalt  }
0x7d: {  	_ =	shalt  }
0x7e: {  	_ =	shalt  }
0x7f: {  	_ =	shalt  }
0x80: {  	_ =	shalt  }
0x81: {  	_ =	shalt  }
0x82: {  	_ =	shalt  }
0x83: {  	_ =	shalt  }
0x84: {  	_ =	shalt  }
0x85: {  	_ =	shalt  }
0x86: {  	_ =	shalt  }
0x87: {  	_ =	shalt  }
.Lfunc_end0:
.L_simem_size_0:
called_computation.1_lowered:
.L_overlay_start_0:
0x88: {  	s2 =	sld [smem:$0x3FD9]  }
0x89: {  	s3 =	sld [smem:$0x3FFE];
	_ =	sdelay $0x1  }
0x8a: {  	s1 =	srdreg.scid  }
0x8b: {  	s0 =	sand.u32 $0x1, s1  }
0x8c: {  	s17 =	sshll.u32 s0, $0xA;
	s2 =	sadd.s32 s3, s2  }
0x8d: {  	s2 =	sadd.s32 s2, s17  }
0x8e: {  	[smem:$0x3FC7] =	sst s2  }
0x8f: {  	_ = 	snop  }
0x90: {  	s2 =	sld [smem:$0x3FC9]  }
0x91: {  	s18 =	sld [smem:$0x3FD0];
	(tm) =	ssettm $0x1  }
0x92: {  	s4 =	sld [smem:$0x3FFB];
	_ =	sdelay $0x3  }
0x93: {  	_ =	strace s4  }
0x94: {  	s4 =	sld [smem:$0x3FFC];
	_ =	sdelay $0x3  }
0x95: {  	_ =	strace s4  }
0x96: {  	s4 =	sld [smem:$0x3FFD];
	_ =	sdelay $0x3  }
0x97: {  	_ =	strace s4  }
0x98: {  	_ =	strace $0x8FFFFFFF  }
0x99: {  	s19 =	sld [smem:$0x3FDB];
	_ =	sdelay $0x1  }
0x9a: {  	s5 =	simm.s32 $_scs_section_size  }
0x9b: {  	s6 =	simm.s32 $_size__tile_overlayer_lowered;
	s7 =	simm.s32 $_tile_overlayer_lowered  }
0x9c: {  	s22 =	simm.s32 $0x1BFF;
	s21 =	sshll.u32 s7, $0x1;
	s4 =	sadd.s32 s5, s19  }
0x9d: {  	s8 =	simm.s32 $0x0;
	s20 =	sshll.u32 s6, $0x1;
	s6 =	sadd.s32 s21, s4  }
0x9e: {  	[timem:s8], [sflag:s22] =	dma.local [hbm:s6], s20  }
0x9f: {  	_ =	swait.ge [sflag:s22], s20  }
0xa0: {  	s5 =	ssub.s32 $0x0, s20;
	[sflag:s22] =	ssyncset.done $0x0  }
0xa1: {  	[sflag:s22] =	ssyncadd.s32 s5;
	_ =	sdelay $0x1  }
0xa2: {  	s23 =	simm.s32 $0x1B8B  }
0xa3: {  	_ =	swait.ge [sflag:s23], $0x1  }
0xa4: {  	[sflag:s23] =	ssyncset.done $0x0  }
0xa5: {  	s25 =	simm.s32 $0x1B8E;
	s24 =	sld [smem:$0x3FFE];
	[sflag:s23] =	ssyncadd.s32 $0xFFFFFFFF  }
0xa6: {  	s26 =	simm.s32 $execute0_lowered;
	[smem:$0x3FD2] =	sst s25  }
0xa7: {  	s6 =	sshll.u32 s26, $0x1;
	_ =	strace $0x80000049;
	[dreg:$0x1] =	wrdreg $0xFFFFFFFF  }
0xa8: {  	s28 =	simm.s32 $_size_execute0_lowered;
	s4 =	sadd.s32 s4, s6;
	[dreg:$0x0] =	wrdreg $0x0  }
0xa9: {  	s6 =	sshll.u32 s28, $0x1;
	[dreg:$0x2] =	wrdreg s4  }
0xaa: {  	[dreg:$0x3] =	wrdreg s6  }
0xab: {  	[dreg:$0x4] =	wrdreg $0xC0  }
0xac: {  	_ =	task [dreg:s8], $0x5FFFF  }
0xad: {  	[dreg:$0x1] =	wrdreg $0xFFFFFFFF  }
0xae: {  	[dreg:$0x0] =	wrdreg $0x60  }
0xaf: {  	[dreg:$0x2] =	wrdreg s2  }
0xb0: {  	[dreg:$0x3] =	wrdreg s24  }
0xb1: {  	[dreg:$0x4] =	wrdreg s18  }
0xb2: {  	[dreg:$0x5] =	wrdreg $0x9  }
0xb3: {  	_ =	task.clear_ibuf [dreg:s8], $0x6FFFF;
	_ =	strace $0x90000049  }
0xb4: {  	s29 =	simm.s32 $0x9;
	_ =	strace $0x8000004B  }
0xb5: {  	_ =	swait.ge [sflag:s29], $0x1  }
0xb6: {  	[sflag:s29] =	ssyncadd.s32 $0xFFFFFFFF  }
0xb7: {  	_ =	strace $0x9000004B  }
0xb8: {  	_ =	sfence  }
0xb9: {  	s30 =	sld [smem:$0x0];
	_ =	sdelay $0x2  }
0xba: {  	s31 =	sshll.u32 s1, $0xD;
	s1 =	sshrl.u32 s1, $0x2  }
0xbb: {  	s3 =	sand.u32 $0x4000, s31;
	s1 =	sadd.s32 s1, s30  }
0xbc: {  	s0 =	sor.u32 s3, s0;
	s1 =	sshll.u32 s1, $0x11  }
0xbd: {  	s0 =	sor.u32 s1, s0  }
0xbe: {  	s0 =	sadd.s32 $0x8F2B, s0  }
0xbf: {  	[sflag:s0] =	ssyncadd.remote.s32 $0x1  }
0xc0: {  	_ =	sfence.sel $0xFFFF  }
0xc1: {  	[dreg:$0x0] =	wrdreg $0xFFFFFFFF;
	(pc) =	sbr.abs _section_cstart, $3  }
0xc2: {  	[dreg:$0x1] =	wrdreg $0xFFFFFFFF  }
0xc3: {  	_ =	task.clear_ibuf [dreg:s8], $0x2FFFF;
	_ =	strace $0x9FFFFFFF  }
0xc4: {  	(tm) =	ssettm $0x7FFFFFFF  }
0xc5: {  	_ =	shalt  }
tec
execute0_lowered:
.L_overlay_start_1:
0x0: {  	(tag) =	ssettag $0x1  }
0x1: {  	s1 =	rddreg [dreg:$0x0]  }
0x2: {  	s5 =	rddreg [dreg:$0x1]  }
0x3: {  	s8 =	rddreg [dreg:$0x2]  }
0x4: {  	s2 =	srdreg.scid;
	s0 =	rddreg [dreg:$0x3]  }
0x5: {  	s3 =	simm.s32 $0x0;
	s13 =	simm.s32 $0x80;
	s14 =	simm.s32 $0x400  }
0x6: {  	s15 =	simm.s32 $0x8000;
	s16 =	simm.s32 $0x1;
	s17 =	simm.s32 $0xC000  }
0x7: {  	s18 =	simm.s32 $0x2;
	s19 =	simm.s32 $0x0;
	s4 =	sand.u32 $0x1, s2  }
0x8: {  	s2 =	stileid.u32;
	[smem:$0x7FF] =	sst s3;
	s6 =	sshll.u32 s4, $0x4  }
0x9: {  	s5 =	sadd.s32 $0x1C00, s5;
	_ =	strace $0x8000004A;
	s9 =	sor.u32 s2, s6  }
0xa: {  	s26 =	sshll.u32 s2, $0x11;
	s10 =	ssub.s32 $0x2, s4;
	s7 =	sshll.u32 s9, $0x11  }
0xb: {  	s31 =	sshll.u32 s2, $0x4;
	s4 =	sand.u32 $0x20000, s26;
	s28 =	sand.u32 $0x3C0000, s7  }
0xc: {  	s29 =	sshrl.u32 s10, $0x1;
	s30 =	sshll.u32 s9, $0x2;
	s6 =	sor.u32 s4, s28  }
0xd: {  	s9 =	sshll.u32 s9, $0xC;
	s11 =	sshrl.u32 s6, $0x3;
	s6 =	sand.u32 $0x78, s30  }
0xe: {  	s10 =	ssub.s32 s10, s29;
	s9 =	sand.u32 $0x18000, s9;
	s12 =	sshll.u32 s6, $0xF  }
0xf: {  	s7 =	sadd.s32 s1, s11;
	s11 =	sand.u32 $0x70, s31;
	s12 =	sor.u32 s4, s12  }
0x10: {  	s10 =	smax.u32 s10, $0x1;
	s11 =	sadd.s32 s8, s11;
	s8 =	sor.u32 $0x80, s12  }
0x11: {  	v0 =	vimm.s32 $0x0;
	v1 =	vlaneseq.u32;
	v2 =	vimm.s32 $0x1;
	s9 =	sadd.s32 s9, s11;
	s11 =	simm.s32 $0x10000;
	s12 =	simm.s32 $0x3  }
.LBB2_1:
0x12: {  	s20 =	simm.s32 $0x40  }
0x13: {  	[tilespmem:s20+$0xFFFFFFC0] =	vst v0  }
0x14: {  	[tilespmem:s20+$0x30] =	vst v0  }
0x15: {  	[tilespmem:s20+$0x20] =	vst v0  }
0x16: {  	[tilespmem:s20+$0x10] =	vst v0  }
0x17: {  	[tilespmem:s20+$0x0] =	vst v0  }
0x18: {  	[tilespmem:s20+$0xFFFFFFF0] =	vst v0  }
0x19: {  	s21 =	simm.s32 $0x0;
	[tilespmem:s20+$0xFFFFFFE0] =	vst v0  }
.LBB2_2:
0x1a: {  	s21 =	sadd.s32 $0x80, s21;
	[tilespmem:s20+$0xFFFFFFD0] =	vst v0;
	s20 =	sadd.s32 $0x80, s20  }
0x1b: {  	[tilespmem:s20+$0xFFFFFFC0] =	vst v0;
	p0 =	slt.u32 s21, $0x7F80  }
0x1c: {  	[tilespmem:s20+$0x30] =	vst v0  }
.Ltmp0:
0x1d: {  	[tilespmem:s20+$0x20] =	vst v0;
	(pc) =	sbr.rel @p0 .LBB2_2-.Ltmp0, $4  }
0x1e: {  	[tilespmem:s20+$0x10] =	vst v0  }
0x1f: {  	[tilespmem:s20+$0x0] =	vst v0  }
0x20: {  	[tilespmem:s20+$0xFFFFFFF0] =	vst v0  }
0x21: {  	[tilespmem:s20+$0xFFFFFFE0] =	vst v0  }
0x22: {  	[tilespmem:s20+$0xFFFFFFD0] =	vst v0;
	s20 =	simm.s32 $0x0  }
0x23: {  	[tilespmem:s11], [sflag:$0x3] =	stream.linear.gather [hbm4b:s5+s20], $0x80, $0x38;
	[tilespmem:$0x10080] =	vst v63  }
0x24: {  	_ =	swait.ge [sflag:s12], $0x80  }
0x25: {  	[sflag:s12] =	ssyncset.done $0x0  }
0x26: {  	[sflag:s12] =	ssyncadd.s32 $0xFFFFFF80  }
0x27: {  	v3 =	vld [tilespmem:$0x10000];
	_ =	sdelay $0x3  }
0x28: {  	[tilespmem:s15], [sflag:$0x1] =	stream.strided.gather [hbm4b:s7+s13], $0x4000, s14, s13, $0x38;
	[tilespmem:$0x10080] =	vst v63  }
.LBB2_4:
0x29: {  	s21 =	sshll.u32 s20, $0x8  }
0x2a: {  	_ =	swait.ge [sflag:s16], $0x4000;
	s21 =	sadd.s32 s8, s21  }
0x2b: {  	[sflag:s16] =	ssyncset.done $0x0;
	s21 =	sshrl.u32 s21, $0x3  }
0x2c: {  	s31 =	simm.s32 $0x8040;
	[sflag:s16] =	ssyncadd.s32 $0xFFFFC000;
	s21 =	sadd.s32 s1, s21  }
0x2d: {  	[tilespmem:s17], [sflag:$0x2] =	stream.strided.gather [hbm4b:s21+s13], $0x4000, s14, s13, $0x38;
	[tilespmem:$0x10080] =	vst v63  }
0x2e: {  	v4 =	vld [tilespmem:s31+$0x30]  }
0x2f: {  	v5 =	vld [tilespmem:s31+$0xFFFFFFD0]  }
0x30: {  	v6 =	vld [tilespmem:s31+$0xFFFFFFE0]  }
0x31: {  	v8 =	vld [tilespmem:s31+$0x0]  }
0x32: {  	v13 =	vld [tilespmem:s31+$0xFFFFFFC0];
	_ =	sdelay $0x1  }
0x33: {  	v7 =	vld [tilespmem:s31+$0xFFFFFFF0];
	_ =	sdelay $0x1  }
0x34: {  	v10 =	vshra.s32 v4, $0x1F;
	v11 =	vshra.s32 v5, $0x1F;
	v14 =	vshra.s32 v6, $0x1F  }
0x35: {  	v9 =	vld [tilespmem:s31+$0x10];
	v16 =	vshra.s32 v8, $0x1F;
	v17 =	vshra.s32 v13, $0x1F;
	v10 =	vand.u32 $0x7FFFFFFF, v10  }
0x36: {  	v12 =	vld [tilespmem:s31+$0x20];
	v11 =	vand.u32 $0x7FFFFFFF, v11;
	v14 =	vand.u32 $0x7FFFFFFF, v14;
	v17 =	vand.u32 $0x7FFFFFFF, v17  }
0x37: {  	v4 =	vxor.u32 v4, v10;
	v10 =	vshra.s32 v7, $0x1F;
	v11 =	vxor.u32 v5, v11  }
0x38: {  	v6 =	vxor.u32 v6, v14;
	v15 =	vshrl.u32 v4, $0x6;
	v4 =	vshra.s32 v4, $0x15  }
0x39: {  	v13 =	vxor.u32 v13, v17;
	vm0 =	veq.s32 v4, v3;
	v4 =	vand.u32 $0x7FF0, v15  }
0x3a: {  	v14 =	vshrl.u32 v11, $0x6;
	v15 =	vshra.s32 v9, $0x1F;
	v18 =	vor.u32 v1, v4  }
0x3b: {  	v4 =	vand.u32 $0x7FFFFFFF, v10;
	v10 =	vand.u32 $0x7FFFFFFF, v16;
	v16 =	vshra.s32 v12, $0x1F  }
0x3c: {  	v17 =	vshra.s32 v13, $0x15;
	v15 =	vand.u32 $0x7FFFFFFF, v15;
	v16 =	vand.u32 $0x7FFFFFFF, v16  }
0x3d: {  	v7 =	vxor.u32 v7, v4;
	v8 =	vxor.u32 v8, v10;
	v10 =	vshrl.u32 v13, $0x6  }
0x3e: {  	v9 =	vxor.u32 v9, v15;
	v15 =	vshrl.u32 v6, $0x6;
	v13 =	vshra.s32 v11, $0x15  }
0x3f: {  	v4 =	vxor.u32 v12, v16;
	v19 =	vshrl.u32 v7, $0x6;
	v20 =	vshrl.u32 v8, $0x6  }
0x40: {  	v21 =	vshrl.u32 v9, $0x6;
	v12 =	vand.u32 $0x7FF0, v10;
	v16 =	vand.u32 $0x7FF0, v14  }
0x41: {  	v10 =	vshra.s32 v6, $0x15;
	v11 =	vand.u32 $0x7FF0, v15;
	v14 =	vshra.s32 v7, $0x15  }
0x42: {  	v8 =	vshra.s32 v8, $0x15;
	v9 =	vshra.s32 v9, $0x15;
	v5 =	vshrl.u32 v4, $0x6  }
0x43: {  	s22 =	simm.s32 $0x80C0;
	s21 =	simm.s32 $0x0;
	v7 =	vand.u32 $0x7FF0, v19;
	v15 =	vand.u32 $0x7FF0, v20;
	v6 =	vand.u32 $0x7FF0, v21;
	[tilespmem:v18+s3+$0x0] =	vst.idx.add.s32.msk vm0, v2  }
.LBB2_5:
0x44: {  	v18 =	vld [tilespmem:s22+$0x30];
	s21 =	sadd.s32 $0x80, s21;
	vm4 =	veq.s32 v17, v3;
	v4 =	vshra.s32 v4, $0x15;
	v5 =	vand.u32 $0x7FF0, v5  }
0x45: {  	v12 =	vor.u32 v1, v12;
	vm6 =	veq.s32 v13, v3;
	v13 =	vor.u32 v1, v16;
	v17 =	vld [tilespmem:s22+$0xFFFFFFD0];
	p0 =	slt.u32 s21, $0x3F80  }
0x46: {  	vm5 =	veq.s32 v10, v3;
	v10 =	vor.u32 v1, v11;
	vm3 =	veq.s32 v14, v3;
	v16 =	vld [tilespmem:s22+$0xFFFFFFE0]  }
0x47: {  	v7 =	vor.u32 v1, v7;
	vm2 =	veq.s32 v8, v3;
	v8 =	vor.u32 v1, v15;
	v11 =	vld [tilespmem:s22+$0xFFFFFFF0]  }
0x48: {  	vm1 =	veq.s32 v9, v3;
	v6 =	vor.u32 v1, v6;
	vm0 =	veq.s32 v4, v3;
	v14 =	vld [tilespmem:s22+$0x0]  }
0x49: {  	v5 =	vor.u32 v1, v5;
	v4 =	vld [tilespmem:s22+$0x10];
	v9 =	vshra.s32 v18, $0x1F  }
0x4a: {  	v15 =	vshra.s32 v17, $0x1F;
	v19 =	vld [tilespmem:s22+$0x20];
	v9 =	vand.u32 $0x7FFFFFFF, v9  }
0x4b: {  	v20 =	vld [tilespmem:s22+$0xFFFFFFC0];
	v15 =	vand.u32 $0x7FFFFFFF, v15;
	v21 =	vshra.s32 v16, $0x1F;
	v9 =	vxor.u32 v18, v9  }
0x4c: {  	v18 =	vshra.s32 v11, $0x1F;
	v22 =	vshrl.u32 v9, $0x6;
	v9 =	vshra.s32 v9, $0x15;
	[tilespmem:v12+s3+$0x0] =	vst.idx.add.s32.msk vm4, v2  }
0x4d: {  	v12 =	vshra.s32 v14, $0x1F;
	vm4 =	veq.s32 v9, v3;
	v9 =	vand.u32 $0x7FF0, v22;
	[tilespmem:v13+s3+$0x0] =	vst.idx.add.s32.msk vm6, v2  }
0x4e: {  	v13 =	vand.u32 $0x7FFFFFFF, v21;
	v21 =	vshra.s32 v4, $0x1F;
	v9 =	vor.u32 v1, v9;
	[tilespmem:v10+s3+$0x0] =	vst.idx.add.s32.msk vm5, v2  }
0x4f: {  	v10 =	vand.u32 $0x7FFFFFFF, v18;
	v12 =	vand.u32 $0x7FFFFFFF, v12;
	v18 =	vshra.s32 v19, $0x1F;
	[tilespmem:v7+s3+$0x0] =	vst.idx.add.s32.msk vm3, v2  }
0x50: {  	v21 =	vand.u32 $0x7FFFFFFF, v21;
	v7 =	vshra.s32 v20, $0x1F;
	v18 =	vand.u32 $0x7FFFFFFF, v18;
	[tilespmem:v8+s3+$0x0] =	vst.idx.add.s32.msk vm2, v2  }
0x51: {  	v8 =	vxor.u32 v17, v15;
	v15 =	vxor.u32 v16, v13;
	v7 =	vand.u32 $0x7FFFFFFF, v7;
	[tilespmem:v6+s3+$0x0] =	vst.idx.add.s32.msk vm1, v2  }
0x52: {  	v6 =	vxor.u32 v20, v7;
	v7 =	vxor.u32 v11, v10;
	v20 =	vxor.u32 v14, v12  }
0x53: {  	v21 =	vxor.u32 v4, v21;
	v4 =	vxor.u32 v19, v18;
	v10 =	vshrl.u32 v6, $0x6;
	[tilespmem:v9+s3+$0x0] =	vst.idx.add.s32.msk vm4, v2  }
0x54: {  	v11 =	vshrl.u32 v15, $0x6;
	v9 =	vshrl.u32 v8, $0x6;
	v18 =	vshrl.u32 v7, $0x6;
	[tilespmem:v5+s3+$0x0] =	vst.idx.add.s32.msk vm0, v2  }
.Ltmp1:
0x55: {  	v22 =	vshrl.u32 v21, $0x6;
	v19 =	vshrl.u32 v20, $0x6;
	v5 =	vshrl.u32 v4, $0x6;
	(pc) =	sbr.rel @p0 .LBB2_5-.Ltmp1, $4  }
0x56: {  	v13 =	vshra.s32 v8, $0x15;
	v17 =	vshra.s32 v6, $0x15;
	v12 =	vand.u32 $0x7FF0, v10  }
0x57: {  	v11 =	vand.u32 $0x7FF0, v11;
	v16 =	vand.u32 $0x7FF0, v9;
	v10 =	vshra.s32 v15, $0x15  }
0x58: {  	v14 =	vshra.s32 v7, $0x15;
	v8 =	vshra.s32 v20, $0x15;
	v7 =	vand.u32 $0x7FF0, v18  }
0x59: {  	s22 =	sadd.s32 $0x80, s22;
	v6 =	vand.u32 $0x7FF0, v22;
	v15 =	vand.u32 $0x7FF0, v19;
	v9 =	vshra.s32 v21, $0x15  }
0x5a: {  	vm0 =	veq.s32 v17, v3  }
0x5b: {  	v12 =	vor.u32 v1, v12;
	vm1 =	veq.s32 v13, v3  }
0x5c: {  	v13 =	vor.u32 v1, v16;
	vm2 =	veq.s32 v10, v3  }
0x5d: {  	v10 =	vor.u32 v1, v11;
	vm3 =	veq.s32 v14, v3  }
0x5e: {  	v7 =	vor.u32 v1, v7;
	vm4 =	veq.s32 v8, v3  }
0x5f: {  	v4 =	vshra.s32 v4, $0x15;
	v8 =	vor.u32 v1, v15;
	vm5 =	veq.s32 v9, v3  }
0x60: {  	v5 =	vand.u32 $0x7FF0, v5;
	v6 =	vor.u32 v1, v6;
	p0 =	seq.s32 s20, $0x3;
	vm6 =	veq.s32 v4, v3;
	[tilespmem:v12+s3+$0x0] =	vst.idx.add.s32.msk vm0, v2  }
0x61: {  	v4 =	vor.u32 v1, v5;
	s21 =	sshll.u32 @!p0 s20, $0x1;
	[tilespmem:v13+s3+$0x0] =	vst.idx.add.s32.msk vm1, v2  }
0x62: {  	s21 =	sadd.s32 @!p0 $0x2, s21;
	[tilespmem:v10+s3+$0x0] =	vst.idx.add.s32.msk vm2, v2  }
0x63: {  	s22 =	sadd.s32 @!p0 s6, s21;
	[tilespmem:v7+s3+$0x0] =	vst.idx.add.s32.msk vm3, v2  }
0x64: {  	s21 =	sshll.u32 @!p0 s21, $0x7;
	s22 =	sshll.u32 @!p0 s22, $0xF;
	[tilespmem:v8+s3+$0x0] =	vst.idx.add.s32.msk vm4, v2  }
0x65: {  	s21 =	sand.u32 @!p0 $0x300, s21;
	s22 =	sand.u32 @!p0 $0x7C0000, s22;
	[tilespmem:v6+s3+$0x0] =	vst.idx.add.s32.msk vm5, v2  }
0x66: {  	s31 =	simm.s32 $0xC040;
	s21 =	sor.u32 @!p0 s22, s21;
	[tilespmem:v4+s3+$0x0] =	vst.idx.add.s32.msk vm6, v2  }
0x67: {  	s23 =	simm.s32 @!p0 $0x400;
	s21 =	sor.u32 @!p0 s4, s21;
	_ =	swait.ge [sflag:s18], $0x4000  }
0x68: {  	s24 =	simm.s32 @!p0 $0x8000;
	s21 =	sshrl.u32 @!p0 s21, $0x3;
	[sflag:s18] =	ssyncset.done $0x0  }
0x69: {  	s22 =	simm.s32 @!p0 $0x80;
	s21 =	sadd.s32 @!p0 s1, s21;
	[sflag:s18] =	ssyncadd.s32 $0xFFFFC000  }
0x6a: {  	[tilespmem:s24], [sflag:$0x1] =	stream.strided.gather @!p0 [hbm4b:s21+s22], $0x4000, s23, s22, $0x38;
	[tilespmem:$0x10080] =	vst v63  }
0x6b: {  	v4 =	vld [tilespmem:s31+$0x30]  }
0x6c: {  	v5 =	vld [tilespmem:s31+$0xFFFFFFD0]  }
0x6d: {  	v6 =	vld [tilespmem:s31+$0xFFFFFFE0]  }
0x6e: {  	v8 =	vld [tilespmem:s31+$0x0]  }
0x6f: {  	v13 =	vld [tilespmem:s31+$0xFFFFFFC0];
	_ =	sdelay $0x1  }
0x70: {  	v7 =	vld [tilespmem:s31+$0xFFFFFFF0];
	_ =	sdelay $0x1  }
0x71: {  	v10 =	vshra.s32 v4, $0x1F;
	v11 =	vshra.s32 v5, $0x1F;
	v14 =	vshra.s32 v6, $0x1F  }
0x72: {  	v9 =	vld [tilespmem:s31+$0x10];
	v16 =	vshra.s32 v8, $0x1F;
	v17 =	vshra.s32 v13, $0x1F;
	v10 =	vand.u32 $0x7FFFFFFF, v10  }
0x73: {  	v12 =	vld [tilespmem:s31+$0x20];
	v11 =	vand.u32 $0x7FFFFFFF, v11;
	v14 =	vand.u32 $0x7FFFFFFF, v14;
	v17 =	vand.u32 $0x7FFFFFFF, v17  }
0x74: {  	v4 =	vxor.u32 v4, v10;
	v10 =	vshra.s32 v7, $0x1F;
	v11 =	vxor.u32 v5, v11  }
0x75: {  	v6 =	vxor.u32 v6, v14;
	v15 =	vshrl.u32 v4, $0x6;
	v4 =	vshra.s32 v4, $0x15  }
0x76: {  	v13 =	vxor.u32 v13, v17;
	vm15 =	veq.s32 v4, v3;
	v4 =	vand.u32 $0x7FF0, v15  }
0x77: {  	v14 =	vshrl.u32 v11, $0x6;
	v15 =	vshra.s32 v9, $0x1F;
	v18 =	vor.u32 v1, v4  }
0x78: {  	v4 =	vand.u32 $0x7FFFFFFF, v10;
	v10 =	vand.u32 $0x7FFFFFFF, v16;
	v16 =	vshra.s32 v12, $0x1F  }
0x79: {  	v17 =	vshra.s32 v13, $0x15;
	v15 =	vand.u32 $0x7FFFFFFF, v15;
	v16 =	vand.u32 $0x7FFFFFFF, v16  }
0x7a: {  	v7 =	vxor.u32 v7, v4;
	v8 =	vxor.u32 v8, v10;
	v10 =	vshrl.u32 v13, $0x6  }
0x7b: {  	v9 =	vxor.u32 v9, v15;
	v15 =	vshrl.u32 v6, $0x6;
	v13 =	vshra.s32 v11, $0x15  }
0x7c: {  	v4 =	vxor.u32 v12, v16;
	v19 =	vshrl.u32 v7, $0x6;
	v20 =	vshrl.u32 v8, $0x6  }
0x7d: {  	v21 =	vshrl.u32 v9, $0x6;
	v12 =	vand.u32 $0x7FF0, v10;
	v16 =	vand.u32 $0x7FF0, v14  }
0x7e: {  	v10 =	vshra.s32 v6, $0x15;
	v11 =	vand.u32 $0x7FF0, v15;
	v14 =	vshra.s32 v7, $0x15  }
0x7f: {  	v8 =	vshra.s32 v8, $0x15;
	v9 =	vshra.s32 v9, $0x15;
	v5 =	vshrl.u32 v4, $0x6  }
0x80: {  	s21 =	simm.s32 $0x0;
	s22 =	simm.s32 $0xC0C0;
	v7 =	vand.u32 $0x7FF0, v19;
	v15 =	vand.u32 $0x7FF0, v20;
	v6 =	vand.u32 $0x7FF0, v21;
	[tilespmem:v18+s3+$0x0] =	vst.idx.add.s32.msk vm15, v2  }
.LBB2_7:
0x81: {  	v18 =	vld [tilespmem:s22+$0x30];
	s21 =	sadd.s32 $0x80, s21;
	vm4 =	veq.s32 v17, v3;
	v4 =	vshra.s32 v4, $0x15;
	v5 =	vand.u32 $0x7FF0, v5  }
0x82: {  	v12 =	vor.u32 v1, v12;
	vm6 =	veq.s32 v13, v3;
	v13 =	vor.u32 v1, v16;
	v17 =	vld [tilespmem:s22+$0xFFFFFFD0];
	p0 =	slt.u32 s21, $0x3F80  }
0x83: {  	vm5 =	veq.s32 v10, v3;
	v10 =	vor.u32 v1, v11;
	vm3 =	veq.s32 v14, v3;
	v16 =	vld [tilespmem:s22+$0xFFFFFFE0]  }
0x84: {  	v7 =	vor.u32 v1, v7;
	vm2 =	veq.s32 v8, v3;
	v8 =	vor.u32 v1, v15;
	v11 =	vld [tilespmem:s22+$0xFFFFFFF0]  }
0x85: {  	vm1 =	veq.s32 v9, v3;
	v6 =	vor.u32 v1, v6;
	vm0 =	veq.s32 v4, v3;
	v14 =	vld [tilespmem:s22+$0x0]  }
0x86: {  	v5 =	vor.u32 v1, v5;
	v4 =	vld [tilespmem:s22+$0x10];
	v9 =	vshra.s32 v18, $0x1F  }
0x87: {  	v15 =	vshra.s32 v17, $0x1F;
	v19 =	vld [tilespmem:s22+$0x20];
	v9 =	vand.u32 $0x7FFFFFFF, v9  }
0x88: {  	v20 =	vld [tilespmem:s22+$0xFFFFFFC0];
	v15 =	vand.u32 $0x7FFFFFFF, v15;
	v21 =	vshra.s32 v16, $0x1F;
	v9 =	vxor.u32 v18, v9  }
0x89: {  	v18 =	vshra.s32 v11, $0x1F;
	v22 =	vshrl.u32 v9, $0x6;
	v9 =	vshra.s32 v9, $0x15;
	[tilespmem:v12+s3+$0x0] =	vst.idx.add.s32.msk vm4, v2  }
0x8a: {  	v12 =	vshra.s32 v14, $0x1F;
	vm4 =	veq.s32 v9, v3;
	v9 =	vand.u32 $0x7FF0, v22;
	[tilespmem:v13+s3+$0x0] =	vst.idx.add.s32.msk vm6, v2  }
0x8b: {  	v13 =	vand.u32 $0x7FFFFFFF, v21;
	v21 =	vshra.s32 v4, $0x1F;
	v9 =	vor.u32 v1, v9;
	[tilespmem:v10+s3+$0x0] =	vst.idx.add.s32.msk vm5, v2  }
0x8c: {  	v10 =	vand.u32 $0x7FFFFFFF, v18;
	v12 =	vand.u32 $0x7FFFFFFF, v12;
	v18 =	vshra.s32 v19, $0x1F;
	[tilespmem:v7+s3+$0x0] =	vst.idx.add.s32.msk vm3, v2  }
0x8d: {  	v21 =	vand.u32 $0x7FFFFFFF, v21;
	v7 =	vshra.s32 v20, $0x1F;
	v18 =	vand.u32 $0x7FFFFFFF, v18;
	[tilespmem:v8+s3+$0x0] =	vst.idx.add.s32.msk vm2, v2  }
0x8e: {  	v8 =	vxor.u32 v17, v15;
	v15 =	vxor.u32 v16, v13;
	v7 =	vand.u32 $0x7FFFFFFF, v7;
	[tilespmem:v6+s3+$0x0] =	vst.idx.add.s32.msk vm1, v2  }
0x8f: {  	v6 =	vxor.u32 v20, v7;
	v7 =	vxor.u32 v11, v10;
	v20 =	vxor.u32 v14, v12  }
0x90: {  	v21 =	vxor.u32 v4, v21;
	v4 =	vxor.u32 v19, v18;
	v10 =	vshrl.u32 v6, $0x6;
	[tilespmem:v9+s3+$0x0] =	vst.idx.add.s32.msk vm4, v2  }
0x91: {  	v11 =	vshrl.u32 v15, $0x6;
	v9 =	vshrl.u32 v8, $0x6;
	v18 =	vshrl.u32 v7, $0x6;
	[tilespmem:v5+s3+$0x0] =	vst.idx.add.s32.msk vm0, v2  }
.Ltmp2:
0x92: {  	v22 =	vshrl.u32 v21, $0x6;
	v19 =	vshrl.u32 v20, $0x6;
	v5 =	vshrl.u32 v4, $0x6;
	(pc) =	sbr.rel @p0 .LBB2_7-.Ltmp2, $4  }
0x93: {  	v13 =	vshra.s32 v8, $0x15;
	v17 =	vshra.s32 v6, $0x15;
	v12 =	vand.u32 $0x7FF0, v10  }
0x94: {  	v11 =	vand.u32 $0x7FF0, v11;
	v16 =	vand.u32 $0x7FF0, v9;
	v10 =	vshra.s32 v15, $0x15  }
0x95: {  	v14 =	vshra.s32 v7, $0x15;
	v8 =	vshra.s32 v20, $0x15;
	v7 =	vand.u32 $0x7FF0, v18  }
0x96: {  	s22 =	sadd.s32 $0x80, s22;
	v6 =	vand.u32 $0x7FF0, v22;
	v15 =	vand.u32 $0x7FF0, v19;
	v9 =	vshra.s32 v21, $0x15  }
0x97: {  	vm0 =	veq.s32 v17, v3  }
0x98: {  	v12 =	vor.u32 v1, v12;
	vm1 =	veq.s32 v13, v3  }
0x99: {  	v61 =	vor.u32 v1, v16;
	vm2 =	veq.s32 v10, v3  }
0x9a: {  	v62 =	vor.u32 v1, v11;
	vm3 =	veq.s32 v14, v3  }
0x9b: {  	v7 =	vor.u32 v1, v7;
	vm4 =	veq.s32 v8, v3  }
0x9c: {  	v4 =	vshra.s32 v4, $0x15;
	v63 =	vor.u32 v1, v15;
	vm5 =	veq.s32 v9, v3  }
0x9d: {  	v5 =	vand.u32 $0x7FF0, v5;
	v6 =	vor.u32 v1, v6;
	s20 =	sadd.s32 $0x1, s20;
	vm6 =	veq.s32 v4, v3;
	[tilespmem:v12+s3+$0x0] =	vst.idx.add.s32.msk vm0, v2  }
0x9e: {  	v4 =	vor.u32 v1, v5;
	p0 =	sne.s32 s20, $0x4;
	[tilespmem:v61+s3+$0x0] =	vst.idx.add.s32.msk vm1, v2  }
.Ltmp3:
0x9f: {  	[tilespmem:v62+s3+$0x0] =	vst.idx.add.s32.msk vm2, v2;
	(pc) =	sbr.rel @p0 .LBB2_4-.Ltmp3, $4  }
0xa0: {  	[tilespmem:v7+s3+$0x0] =	vst.idx.add.s32.msk vm3, v2  }
0xa1: {  	[tilespmem:v63+s3+$0x0] =	vst.idx.add.s32.msk vm4, v2  }
0xa2: {  	[tilespmem:v6+s3+$0x0] =	vst.idx.add.s32.msk vm5, v2  }
0xa3: {  	[tilespmem:v4+s3+$0x0] =	vst.idx.add.s32.msk vm6, v2  }
0xa4: {  	s19 =	sadd.s32 $0x1, s19  }
0xa5: {  	p0 =	sne.s32 s19, s10  }
.Ltmp4:
0xa6: {  	_ = 	snop;
	(pc) =	sbr.rel @p0 .LBB2_1-.Ltmp4, $4  }
0xa7: {  	[hbm4b:s9+s13] =	stream.strided.scatter [tilespmem:s3], [sflag:$0x3], $0x8000, s14, s13, $0x38;
	[tilespmem:$0x10080] =	vst v63  }
0xa8: {  	_ =	swait.ge [sflag:s12], $0x8000  }
0xa9: {  	[sflag:s12] =	ssyncset.done $0x0  }
0xaa: {  	[sflag:s12] =	ssyncadd.s32 $0xFFFF8000  }
0xab: {  	_ =	sfence.sel $0x180000  }
0xac: {  	[bflag:$0x0] =	sbarrier.arrive $0xFFFF  }
0xad: {  	p0 =	sne.s32 s2, $0x0;
	_ =	strace $0x9000004A  }
0xae: {  	s0 =	sadd.s32 @!p0 $0x100000, s0;
	[bflag:$0x2] =	sbarrier.arrive $0xFFFF  }
0xaf: {  	[sflag:s0] =	ssyncadd.tile.s32 @!p0 $0x1;
	_ =	shalt  }
.Lfunc_end2:
_tile_overlayer_lowered:
.L_overlay_start_2:
0xb0: {  	(tag) =	ssettag $0x2  }
0xb1: {  	s0 =	rddreg [dreg:$0x0];
	s2 =	stileid.u32  }
0xb2: {  	s1 =	rddreg [dreg:$0x1];
	p0 =	sne.s32 s2, $0x0  }
0xb3: {  	s3 =	rddreg [dreg:$0x2];
	[bflag:$0x3] =	sbarrier.arrive $0xFFFF;
	s2 =	simm.s32 @!p0 $0x1C03  }
0xb4: {  	[timem:s3], [sflag:s2] =	dma.local @!p0 [hbm:s0], s1  }
0xb5: {  	s0 =	simm.s32 @!p0 $0x3  }
0xb6: {  	_ =	swait.ge @!p0 [sflag:s0], s1  }
0xb7: {  	s1 =	ssub.s32 @!p0 $0x0, s1;
	[sflag:s0] =	ssyncset.done @!p0 $0x0  }
0xb8: {  	[sflag:s0] =	ssyncadd.s32 @!p0 s1  }
0xb9: {  	[bflag:$0x3] =	sbarrier.arrive $0xFFFF  }
0xba: {  	_ =	shalt  }

// kernel: kernel.15.cloned.1.call-start
scs
__scs_entry_jumppad:
0x0: {  	(pc) =	sbr.rel $0x88, $3  }
0x1: {  	(tag) =	ssettag $0x0;
	lr =	simm.s32 $0x1  }
0x2: {  	[smem:$0x3FA0] =	sst lr;
	_ =	strace $0xD0000000  }
0x3: {  	_ = 	snop  }
0x4: {  	_ = 	snop  }
0x5: {  	_ = 	snop  }
0x6: {  	_ = 	snop  }
0x7: {  	_ = 	snop  }
__scs_overlays_trampoline_lowered:
0x8: {  	[smem:$0x3FAF] =	sst s0  }
0x9: {  	[smem:$0x3FB0] =	sst s1  }
0xa: {  	[smem:$0x3FB1] =	sst s2  }
0xb: {  	[smem:$0x3FB2] =	sst s3  }
0xc: {  	[smem:$0x3FB3] =	sst s4  }
0xd: {  	[smem:$0x3FB4] =	sst s5  }
0xe: {  	[smem:$0x3FB5] =	sst s6  }
0xf: {  	[smem:$0x3FB6] =	sst s7  }
0x10: {  	[smem:$0x3FB7] =	sst s8  }
0x11: {  	[smem:$0x3FB8] =	sst s9;
	s0 =	simm.s32 @!p0 $0x0  }
0x12: {  	s1 =	sld [smem:$0x3F9E];
	s0 =	simm.s32 @p0 $0x1  }
0x13: {  	[smem:$0x3FB9] =	sst s0;
	s0 =	simm.s32 @!p1 $0x0  }
0x14: {  	s2 =	sld [smem:$0x3F9D];
	s0 =	simm.s32 @p1 $0x1  }
0x15: {  	[smem:$0x3FBA] =	sst s0;
	s0 =	simm.s32 @!p2 $0x0  }
0x16: {  	s3 =	sld [smem:$0x3FDB];
	s0 =	simm.s32 @p2 $0x1  }
0x17: {  	s4 =	simm.s32 $0x1BF5;
	[smem:$0x3FBC] =	sst s0  }
0x18: {  	s0 =	sld [smem:$0x3F9F];
	_ =	swait.ge [sflag:s4], $0x0  }
0x19: {  	s7 =	sld [smem:$0x3FA0]  }
0x1a: {  	s8 =	sadd.s32 $0xFFFFE003, lr  }
0x1b: {  	s9 =	sadd.s32 $0xFFFFFEF7, lr;
	s5 =	simm.s32 $0xFFFFFFFF;
	p2 =	slt.u32 s8, $0xFFFFF086  }
0x1c: {  	p1 =	slt.u32 s9, $0xF7A;
	s5 =	simm.s32 @!p2 $0x0  }
0x1d: {  	s5 =	simm.s32 @p1 $0x1;
	p0 =	seq.s32 s7, s2  }
0x1e: {  	s7 =	smul.u32 @!p0 $0xF7A, s2;
	p2 =	seq.s32 @!p0 s5, $0x0  }
0x1f: {  	s9 =	smul.u32 $0xF7A, s1;
	s8 =	simm.s32 @!p0 $0x1BF5;
	p2 =	por !p2, p0  }
0x20: {  	[sflag:s8] =	ssyncset.s32 @!p0 $0xFFFFF086;
	s6 =	sadd.s32 @!p0 s3, s7;
	s7 =	simm.s32 @!p0 $0x108  }
0x21: {  	s3 =	sadd.s32 s3, s9;
	s6 =	sadd.s32 @!p0 $0x88, s6;
	s7 =	simm.s32 @p2 $0x1082  }
0x22: {  	[simem:s7], [sflag:s8] =	dma.local @!p0 [hbm:s6], $0xF7A  }
0x23: {  	s9 =	sor.u32 $0xD0000000, s2;
	s6 =	simm.s32 $0x108;
	_ =	swait.ge @!p0 [sflag:s8], $0x0  }
0x24: {  	s3 =	sadd.s32 $0x88, s3;
	s6 =	simm.s32 @!p1 $0x1082;
	[sflag:s4] =	ssyncset.s32 $0xFFFFF086  }
0x25: {  	[simem:s6], [sflag:s4] =	dma.local [hbm:s3], $0xF7A  }
0x26: {  	[smem:$0x3FA0] =	sst s1;
	(tag) =	ssettag s2;
	_ =	strace s9  }
0x27: {  	s1 =	sld [smem:$0x3FB0]  }
0x28: {  	s2 =	sld [smem:$0x3FB1]  }
0x29: {  	s4 =	sld [smem:$0x3FB3]  }
0x2a: {  	p0 =	seq.s32 s5, $0x0;
	s5 =	sld [smem:$0x3FB4]  }
0x2b: {  	s6 =	sld [smem:$0x3FB5]  }
0x2c: {  	s7 =	sld [smem:$0x3FB6]  }
0x2d: {  	s3 =	simm.s32 $0x108;
	s8 =	sld [smem:$0x3FB7]  }
0x2e: {  	s3 =	simm.s32 @!p0 $0x1082;
	s9 =	sld [smem:$0x3FB8]  }
0x2f: {  	lr =	sadd.s32 s0, s3;
	s0 =	sld [smem:$0x3FAF]  }
0x30: {  	s3 =	sld [smem:$0x3FB2]  }
0x31: {  	[smem:$0x3FBB] =	sst s10  }
0x32: {  	s10 =	sld [smem:$0x3FB9];
	_ =	sdelay $0x3  }
0x33: {  	p0 =	seq.s32 s10, $0x1;
	s10 =	sld [smem:$0x3FBB];
	_ =	sdelay $0x3  }
0x34: {  	[smem:$0x3FBB] =	sst s10  }
0x35: {  	s10 =	sld [smem:$0x3FBA];
	_ =	sdelay $0x3  }
0x36: {  	p1 =	seq.s32 s10, $0x1;
	s10 =	sld [smem:$0x3FBB];
	_ =	sdelay $0x3  }
0x37: {  	[smem:$0x3FBB] =	sst s10  }
0x38: {  	s10 =	sld [smem:$0x3FBC]  }
0x39: {  	_ = 	snop;
	(pc) =	sbr.ind lr, $3  }
0x3a: {  	_ = 	snop  }
0x3b: {  	_ = 	snop  }
0x3c: {  	p2 =	seq.s32 s10, $0x1;
	s10 =	sld [smem:$0x3FBB]  }
0x3d: {  	_ =	shalt  }
0x3e: {  	_ =	shalt  }
0x3f: {  	_ =	shalt  }
0x40: {  	_ =	shalt  }
0x41: {  	_ =	shalt  }
0x42: {  	_ =	shalt  }
0x43: {  	_ =	shalt  }
0x44: {  	_ =	shalt  }
0x45: {  	_ =	shalt  }
0x46: {  	_ =	shalt  }
0x47: {  	_ =	shalt  }
0x48: {  	_ =	shalt  }
0x49: {  	_ =	shalt  }
0x4a: {  	_ =	shalt  }
0x4b: {  	_ =	shalt  }
0x4c: {  	_ =	shalt  }
0x4d: {  	_ =	shalt  }
0x4e: {  	_ =	shalt  }
0x4f: {  	_ =	shalt  }
0x50: {  	_ =	shalt  }
0x51: {  	_ =	shalt  }
0x52: {  	_ =	shalt  }
0x53: {  	_ =	shalt  }
0x54: {  	_ =	shalt  }
0x55: {  	_ =	shalt  }
0x56: {  	_ =	shalt  }
0x57: {  	_ =	shalt  }
0x58: {  	_ =	shalt  }
0x59: {  	_ =	shalt  }
0x5a: {  	_ =	shalt  }
0x5b: {  	_ =	shalt  }
0x5c: {  	_ =	shalt  }
0x5d: {  	_ =	shalt  }
0x5e: {  	_ =	shalt  }
0x5f: {  	_ =	shalt  }
0x60: {  	_ =	shalt  }
0x61: {  	_ =	shalt  }
0x62: {  	_ =	shalt  }
0x63: {  	_ =	shalt  }
0x64: {  	_ =	shalt  }
0x65: {  	_ =	shalt  }
0x66: {  	_ =	shalt  }
0x67: {  	_ =	shalt  }
0x68: {  	_ =	shalt  }
0x69: {  	_ =	shalt  }
0x6a: {  	_ =	shalt  }
0x6b: {  	_ =	shalt  }
0x6c: {  	_ =	shalt  }
0x6d: {  	_ =	shalt  }
0x6e: {  	_ =	shalt  }
0x6f: {  	_ =	shalt  }
0x70: {  	_ =	shalt  }
0x71: {  	_ =	shalt  }
0x72: {  	_ =	shalt  }
0x73: {  	_ =	shalt  }
0x74: {  	_ =	shalt  }
0x75: {  	_ =	shalt  }
0x76: {  	_ =	shalt  }
0x77: {  	_ =	shalt  }
0x78: {  	_ =	shalt  }
0x79: {  	_ =	shalt  }
0x7a: {  	_ =	shalt  }
0x7b: {  	_ =	shalt  }
0x7c: {  	_ =	shalt  }
0x7d: {  	_ =	shalt  }
0x7e: {  	_ =	shalt  }
0x7f: {  	_ =	shalt  }
0x80: {  	_ =	shalt  }
0x81: {  	_ =	shalt  }
0x82: {  	_ =	shalt  }
0x83: {  	_ =	shalt  }
0x84: {  	_ =	shalt  }
0x85: {  	_ =	shalt  }
0x86: {  	_ =	shalt  }
0x87: {  	_ =	shalt  }
.Lfunc_end0:
.L_simem_size_0:
called_computation.2_lowered:
.L_overlay_start_0:
0x88: {  	s2 =	sld [smem:$0x3FD9]  }
0x89: {  	s3 =	sld [smem:$0x3FFE];
	_ =	sdelay $0x1  }
0x8a: {  	s1 =	srdreg.scid  }
0x8b: {  	s0 =	sand.u32 $0x1, s1  }
0x8c: {  	s17 =	sshll.u32 s0, $0xA;
	s2 =	sadd.s32 s3, s2  }
0x8d: {  	s2 =	sadd.s32 s2, s17  }
0x8e: {  	[smem:$0x3FC7] =	sst s2  }
0x8f: {  	_ = 	snop  }
0x90: {  	s2 =	sld [smem:$0x3FC9]  }
0x91: {  	s18 =	sld [smem:$0x3FD0];
	(tm) =	ssettm $0x1  }
0x92: {  	s4 =	sld [smem:$0x3FFB];
	_ =	sdelay $0x3  }
0x93: {  	_ =	strace s4  }
0x94: {  	s4 =	sld [smem:$0x3FFC];
	_ =	sdelay $0x3  }
0x95: {  	_ =	strace s4  }
0x96: {  	s4 =	sld [smem:$0x3FFD];
	_ =	sdelay $0x3  }
0x97: {  	_ =	strace s4  }
0x98: {  	_ =	strace $0x8FFFFFFF  }
0x99: {  	s19 =	sld [smem:$0x3FDB];
	_ =	sdelay $0x1  }
0x9a: {  	s5 =	simm.s32 $_scs_section_size  }
0x9b: {  	s6 =	simm.s32 $_size__tile_overlayer_lowered;
	s7 =	simm.s32 $_tile_overlayer_lowered  }
0x9c: {  	s22 =	simm.s32 $0x1BFF;
	s21 =	sshll.u32 s7, $0x1;
	s4 =	sadd.s32 s5, s19  }
0x9d: {  	s8 =	simm.s32 $0x0;
	s20 =	sshll.u32 s6, $0x1;
	s6 =	sadd.s32 s21, s4  }
0x9e: {  	[timem:s8], [sflag:s22] =	dma.local [hbm:s6], s20  }
0x9f: {  	_ =	swait.ge [sflag:s22], s20  }
0xa0: {  	s5 =	ssub.s32 $0x0, s20;
	[sflag:s22] =	ssyncset.done $0x0  }
0xa1: {  	[sflag:s22] =	ssyncadd.s32 s5;
	_ =	sdelay $0x1  }
0xa2: {  	s23 =	simm.s32 $0x1B8B  }
0xa3: {  	_ =	swait.ge [sflag:s23], $0x1  }
0xa4: {  	[sflag:s23] =	ssyncset.done $0x0  }
0xa5: {  	s25 =	simm.s32 $0x1B8E;
	s24 =	sld [smem:$0x3FFE];
	[sflag:s23] =	ssyncadd.s32 $0xFFFFFFFF  }
0xa6: {  	s26 =	simm.s32 $execute0_lowered;
	[smem:$0x3FD2] =	sst s25  }
0xa7: {  	s6 =	sshll.u32 s26, $0x1;
	_ =	strace $0x8000004C;
	[dreg:$0x1] =	wrdreg $0xFFFFFFFF  }
0xa8: {  	s28 =	simm.s32 $_size_execute0_lowered;
	s4 =	sadd.s32 s4, s6;
	[dreg:$0x0] =	wrdreg $0x0  }
0xa9: {  	s6 =	sshll.u32 s28, $0x1;
	[dreg:$0x2] =	wrdreg s4  }
0xaa: {  	[dreg:$0x3] =	wrdreg s6  }
0xab: {  	[dreg:$0x4] =	wrdreg $0xC0  }
0xac: {  	_ =	task [dreg:s8], $0x5FFFF  }
0xad: {  	[dreg:$0x1] =	wrdreg $0xFFFFFFFF  }
0xae: {  	[dreg:$0x0] =	wrdreg $0x60  }
0xaf: {  	[dreg:$0x2] =	wrdreg s2  }
0xb0: {  	[dreg:$0x3] =	wrdreg s24  }
0xb1: {  	[dreg:$0x4] =	wrdreg s18  }
0xb2: {  	[dreg:$0x5] =	wrdreg $0x9  }
0xb3: {  	_ =	task.clear_ibuf [dreg:s8], $0x6FFFF;
	_ =	strace $0x9000004C  }
0xb4: {  	s29 =	simm.s32 $0x9;
	_ =	strace $0x8000004E  }
0xb5: {  	_ =	swait.ge [sflag:s29], $0x1  }
0xb6: {  	[sflag:s29] =	ssyncadd.s32 $0xFFFFFFFF  }
0xb7: {  	_ =	strace $0x9000004E  }
0xb8: {  	_ =	sfence  }
0xb9: {  	s30 =	sld [smem:$0x0];
	_ =	sdelay $0x2  }
0xba: {  	s31 =	sshll.u32 s1, $0xD;
	s1 =	sshrl.u32 s1, $0x2  }
0xbb: {  	s3 =	sand.u32 $0x4000, s31;
	s1 =	sadd.s32 s1, s30  }
0xbc: {  	s0 =	sor.u32 s3, s0;
	s1 =	sshll.u32 s1, $0x11  }
0xbd: {  	s0 =	sor.u32 s1, s0  }
0xbe: {  	s0 =	sadd.s32 $0x8F2B, s0  }
0xbf: {  	[sflag:s0] =	ssyncadd.remote.s32 $0x1  }
0xc0: {  	_ =	sfence.sel $0xFFFF  }
0xc1: {  	[dreg:$0x0] =	wrdreg $0xFFFFFFFF;
	(pc) =	sbr.abs _section_cstart, $3  }
0xc2: {  	[dreg:$0x1] =	wrdreg $0xFFFFFFFF  }
0xc3: {  	_ =	task.clear_ibuf [dreg:s8], $0x2FFFF;
	_ =	strace $0x9FFFFFFF  }
0xc4: {  	(tm) =	ssettm $0x7FFFFFFF  }
0xc5: {  	_ =	shalt  }
tec
execute0_lowered:
.L_overlay_start_1:
0x0: {  	(tag) =	ssettag $0x1  }
0x1: {  	s1 =	rddreg [dreg:$0x0]  }
0x2: {  	s5 =	rddreg [dreg:$0x1]  }
0x3: {  	s8 =	rddreg [dreg:$0x2]  }
0x4: {  	s2 =	srdreg.scid;
	s0 =	rddreg [dreg:$0x3]  }
0x5: {  	s3 =	simm.s32 $0x0;
	s13 =	simm.s32 $0x80;
	s14 =	simm.s32 $0x400  }
0x6: {  	s15 =	simm.s32 $0x4000;
	s16 =	simm.s32 $0x1;
	s17 =	simm.s32 $0x8000  }
0x7: {  	s18 =	simm.s32 $0x2;
	s19 =	simm.s32 $0x0;
	s4 =	sand.u32 $0x1, s2  }
0x8: {  	s2 =	stileid.u32;
	[smem:$0x7FF] =	sst s3;
	s6 =	sshll.u32 s4, $0x4  }
0x9: {  	s5 =	sadd.s32 $0x1C00, s5;
	_ =	strace $0x8000004D;
	s9 =	sor.u32 s2, s6  }
0xa: {  	s26 =	sshll.u32 s2, $0x11;
	s10 =	ssub.s32 $0x2, s4;
	s7 =	sshll.u32 s9, $0x11  }
0xb: {  	s31 =	sshll.u32 s2, $0x4;
	s4 =	sand.u32 $0x20000, s26;
	s28 =	sand.u32 $0x3C0000, s7  }
0xc: {  	s29 =	sshrl.u32 s10, $0x1;
	s30 =	sshll.u32 s9, $0x2;
	s6 =	sor.u32 s4, s28  }
0xd: {  	s9 =	sshll.u32 s9, $0xB;
	s11 =	sshrl.u32 s6, $0x3;
	s6 =	sand.u32 $0x78, s30  }
0xe: {  	s10 =	ssub.s32 s10, s29;
	s9 =	sand.u32 $0xC000, s9;
	s12 =	sshll.u32 s6, $0xF  }
0xf: {  	s7 =	sadd.s32 s1, s11;
	s11 =	sand.u32 $0x70, s31;
	s12 =	sor.u32 s4, s12  }
0x10: {  	s10 =	smax.u32 s10, $0x1;
	s11 =	sadd.s32 s8, s11;
	s8 =	sor.u32 $0x80, s12  }
0x11: {  	v0 =	vimm.s32 $0x0;
	v1 =	vlaneseq.u32;
	v2 =	vimm.s32 $0x1;
	s9 =	sadd.s32 s9, s11;
	s11 =	simm.s32 $0xC000;
	s12 =	simm.s32 $0x3  }
.LBB2_1:
0x12: {  	s20 =	simm.s32 $0x40  }
0x13: {  	[tilespmem:s20+$0xFFFFFFC0] =	vst v0  }
0x14: {  	[tilespmem:s20+$0x30] =	vst v0  }
0x15: {  	[tilespmem:s20+$0x20] =	vst v0  }
0x16: {  	[tilespmem:s20+$0x10] =	vst v0  }
0x17: {  	[tilespmem:s20+$0x0] =	vst v0  }
0x18: {  	[tilespmem:s20+$0xFFFFFFF0] =	vst v0  }
0x19: {  	s21 =	simm.s32 $0x0;
	[tilespmem:s20+$0xFFFFFFE0] =	vst v0  }
.LBB2_2:
0x1a: {  	s21 =	sadd.s32 $0x80, s21;
	[tilespmem:s20+$0xFFFFFFD0] =	vst v0;
	s20 =	sadd.s32 $0x80, s20  }
0x1b: {  	[tilespmem:s20+$0xFFFFFFC0] =	vst v0;
	p0 =	slt.u32 s21, $0x3F80  }
0x1c: {  	[tilespmem:s20+$0x30] =	vst v0  }
.Ltmp0:
0x1d: {  	[tilespmem:s20+$0x20] =	vst v0;
	(pc) =	sbr.rel @p0 .LBB2_2-.Ltmp0, $4  }
0x1e: {  	[tilespmem:s20+$0x10] =	vst v0  }
0x1f: {  	[tilespmem:s20+$0x0] =	vst v0  }
0x20: {  	[tilespmem:s20+$0xFFFFFFF0] =	vst v0  }
0x21: {  	[tilespmem:s20+$0xFFFFFFE0] =	vst v0  }
0x22: {  	[tilespmem:s20+$0xFFFFFFD0] =	vst v0;
	s20 =	simm.s32 $0x0  }
0x23: {  	[tilespmem:s11], [sflag:$0x3] =	stream.linear.gather [hbm4b:s5+s20], $0x80, $0x38;
	[tilespmem:$0xC080] =	vst v63  }
0x24: {  	_ =	swait.ge [sflag:s12], $0x80  }
0x25: {  	[sflag:s12] =	ssyncset.done $0x0  }
0x26: {  	[sflag:s12] =	ssyncadd.s32 $0xFFFFFF80  }
0x27: {  	v3 =	vld [tilespmem:$0xC000];
	_ =	sdelay $0x3  }
0x28: {  	[tilespmem:s15], [sflag:$0x1] =	stream.strided.gather [hbm4b:s7+s13], $0x4000, s14, s13, $0x38;
	[tilespmem:$0xC080] =	vst v63  }
.LBB2_4:
0x29: {  	s21 =	sshll.u32 s20, $0x8  }
0x2a: {  	_ =	swait.ge [sflag:s16], $0x4000;
	s21 =	sadd.s32 s8, s21  }
0x2b: {  	[sflag:s16] =	ssyncset.done $0x0;
	s21 =	sshrl.u32 s21, $0x3  }
0x2c: {  	s31 =	simm.s32 $0x4040;
	[sflag:s16] =	ssyncadd.s32 $0xFFFFC000;
	s21 =	sadd.s32 s1, s21  }
0x2d: {  	[tilespmem:s17], [sflag:$0x2] =	stream.strided.gather [hbm4b:s21+s13], $0x4000, s14, s13, $0x38;
	[tilespmem:$0xC080] =	vst v63  }
0x2e: {  	v4 =	vld [tilespmem:s31+$0x30]  }
0x2f: {  	v5 =	vld [tilespmem:s31+$0xFFFFFFD0]  }
0x30: {  	v6 =	vld [tilespmem:s31+$0xFFFFFFE0]  }
0x31: {  	v8 =	vld [tilespmem:s31+$0x0]  }
0x32: {  	v13 =	vld [tilespmem:s31+$0xFFFFFFC0];
	_ =	sdelay $0x1  }
0x33: {  	v7 =	vld [tilespmem:s31+$0xFFFFFFF0];
	_ =	sdelay $0x1  }
0x34: {  	v10 =	vshra.s32 v4, $0x1F;
	v11 =	vshra.s32 v5, $0x1F;
	v14 =	vshra.s32 v6, $0x1F  }
0x35: {  	v9 =	vld [tilespmem:s31+$0x10];
	v16 =	vshra.s32 v8, $0x1F;
	v17 =	vshra.s32 v13, $0x1F;
	v10 =	vand.u32 $0x7FFFFFFF, v10  }
0x36: {  	v12 =	vld [tilespmem:s31+$0x20];
	v11 =	vand.u32 $0x7FFFFFFF, v11;
	v17 =	vand.u32 $0x7FFFFFFF, v17;
	v4 =	vxor.u32 v4, v10  }
0x37: {  	v10 =	vshra.s32 v7, $0x1F;
	v19 =	vxor.u32 v5, v11;
	v11 =	vxor.u32 v13, v17  }
0x38: {  	v15 =	vshll.u32 v4, $0x4;
	v4 =	vshra.s32 v4, $0xA;
	v10 =	vand.u32 $0x7FFFFFFF, v10  }
0x39: {  	v17 =	vshra.s32 v11, $0xA;
	v15 =	vor.u32 v1, v15;
	vm0 =	veq.s32 v4, v3  }
0x3a: {  	v4 =	vand.u32 $0x7FFFFFFF, v14;
	v14 =	vshra.s32 v9, $0x1F;
	v7 =	vxor.u32 v7, v10  }
0x3b: {  	v18 =	vand.u32 $0x3FFF, v15;
	v15 =	vand.u32 $0x7FFFFFFF, v16;
	v16 =	vshra.s32 v12, $0x1F  }
0x3c: {  	v14 =	vand.u32 $0x7FFFFFFF, v14;
	v6 =	vxor.u32 v6, v4;
	v16 =	vand.u32 $0x7FFFFFFF, v16  }
0x3d: {  	v20 =	vxor.u32 v8, v15;
	v8 =	vshll.u32 v11, $0x4;
	v21 =	vxor.u32 v9, v14  }
0x3e: {  	v9 =	vshll.u32 v19, $0x4;
	v14 =	vshll.u32 v7, $0x4;
	v15 =	vshra.s32 v19, $0xA  }
0x3f: {  	v13 =	vshra.s32 v6, $0xA;
	v4 =	vxor.u32 v12, v16;
	v12 =	vshll.u32 v6, $0x4  }
0x40: {  	v16 =	vshll.u32 v20, $0x4;
	v22 =	vshll.u32 v21, $0x4;
	v10 =	vor.u32 v1, v8  }
0x41: {  	v11 =	vor.u32 v1, v9;
	v8 =	vor.u32 v1, v14;
	v14 =	vshra.s32 v7, $0xA  }
0x42: {  	v5 =	vshll.u32 v4, $0x4;
	v9 =	vor.u32 v1, v12;
	v6 =	vor.u32 v1, v16  }
0x43: {  	s22 =	simm.s32 $0x40C0;
	s21 =	simm.s32 $0x0;
	v16 =	vshra.s32 v20, $0xA;
	v7 =	vor.u32 v1, v22;
	v12 =	vshra.s32 v21, $0xA;
	[tilespmem:v18+s3+$0x0] =	vst.idx.add.s32.msk vm0, v2  }
.LBB2_5:
0x44: {  	v18 =	vld [tilespmem:s22+$0x30];
	s21 =	sadd.s32 $0x80, s21;
	vm4 =	veq.s32 v17, v3;
	v5 =	vor.u32 v1, v5;
	v4 =	vshra.s32 v4, $0xA  }
0x45: {  	v10 =	vand.u32 $0x3FFF, v10;
	vm6 =	veq.s32 v15, v3;
	v11 =	vand.u32 $0x3FFF, v11;
	v17 =	vld [tilespmem:s22+$0xFFFFFFD0];
	p0 =	slt.u32 s21, $0x3F80  }
0x46: {  	vm5 =	veq.s32 v13, v3;
	v9 =	vand.u32 $0x3FFF, v9;
	vm3 =	veq.s32 v14, v3;
	v15 =	vld [tilespmem:s22+$0xFFFFFFE0]  }
0x47: {  	v8 =	vand.u32 $0x3FFF, v8;
	vm2 =	veq.s32 v16, v3;
	v6 =	vand.u32 $0x3FFF, v6;
	v13 =	vld [tilespmem:s22+$0xFFFFFFF0]  }
0x48: {  	vm1 =	veq.s32 v12, v3;
	v7 =	vand.u32 $0x3FFF, v7;
	vm0 =	veq.s32 v4, v3;
	v14 =	vld [tilespmem:s22+$0x0]  }
0x49: {  	v5 =	vand.u32 $0x3FFF, v5;
	v4 =	vld [tilespmem:s22+$0x10];
	v12 =	vshra.s32 v18, $0x1F  }
0x4a: {  	v16 =	vshra.s32 v17, $0x1F;
	v19 =	vld [tilespmem:s22+$0x20];
	v12 =	vand.u32 $0x7FFFFFFF, v12  }
0x4b: {  	v20 =	vld [tilespmem:s22+$0xFFFFFFC0];
	v16 =	vand.u32 $0x7FFFFFFF, v16;
	v21 =	vshra.s32 v15, $0x1F;
	v12 =	vxor.u32 v18, v12  }
0x4c: {  	v18 =	vshra.s32 v13, $0x1F;
	v22 =	vshll.u32 v12, $0x4;
	v12 =	vshra.s32 v12, $0xA;
	[tilespmem:v10+s3+$0x0] =	vst.idx.add.s32.msk vm4, v2  }
0x4d: {  	v10 =	vshra.s32 v14, $0x1F;
	v22 =	vor.u32 v1, v22;
	vm4 =	veq.s32 v12, v3;
	[tilespmem:v11+s3+$0x0] =	vst.idx.add.s32.msk vm6, v2  }
0x4e: {  	v11 =	vand.u32 $0x7FFFFFFF, v21;
	v12 =	vshra.s32 v4, $0x1F;
	v21 =	vand.u32 $0x3FFF, v22;
	[tilespmem:v9+s3+$0x0] =	vst.idx.add.s32.msk vm5, v2  }
0x4f: {  	v9 =	vand.u32 $0x7FFFFFFF, v18;
	v10 =	vand.u32 $0x7FFFFFFF, v10;
	v18 =	vshra.s32 v19, $0x1F;
	[tilespmem:v8+s3+$0x0] =	vst.idx.add.s32.msk vm3, v2  }
0x50: {  	v12 =	vand.u32 $0x7FFFFFFF, v12;
	v8 =	vshra.s32 v20, $0x1F;
	v18 =	vand.u32 $0x7FFFFFFF, v18;
	[tilespmem:v6+s3+$0x0] =	vst.idx.add.s32.msk vm2, v2  }
0x51: {  	v6 =	vand.u32 $0x7FFFFFFF, v8;
	v8 =	vxor.u32 v17, v16;
	v16 =	vxor.u32 v15, v11;
	[tilespmem:v7+s3+$0x0] =	vst.idx.add.s32.msk vm1, v2  }
0x52: {  	v7 =	vxor.u32 v13, v9;
	v6 =	vxor.u32 v20, v6;
	v20 =	vxor.u32 v14, v10  }
0x53: {  	v12 =	vxor.u32 v4, v12;
	v4 =	vxor.u32 v19, v18;
	v9 =	vshll.u32 v6, $0x4;
	[tilespmem:v21+s3+$0x0] =	vst.idx.add.s32.msk vm4, v2  }
0x54: {  	v11 =	vshll.u32 v8, $0x4;
	v13 =	vshll.u32 v16, $0x4;
	v14 =	vshll.u32 v7, $0x4;
	[tilespmem:v5+s3+$0x0] =	vst.idx.add.s32.msk vm0, v2  }
.Ltmp1:
0x55: {  	v19 =	vshll.u32 v12, $0x4;
	v18 =	vshll.u32 v20, $0x4;
	v5 =	vshll.u32 v4, $0x4;
	(pc) =	sbr.rel @p0 .LBB2_5-.Ltmp1, $4  }
0x56: {  	v17 =	vshra.s32 v6, $0xA;
	v11 =	vor.u32 v1, v11;
	v10 =	vor.u32 v1, v9  }
0x57: {  	v15 =	vshra.s32 v8, $0xA;
	v9 =	vor.u32 v1, v13;
	v13 =	vshra.s32 v16, $0xA  }
0x58: {  	v8 =	vor.u32 v1, v14;
	v14 =	vshra.s32 v7, $0xA;
	v6 =	vor.u32 v1, v18  }
0x59: {  	s22 =	sadd.s32 $0x80, s22;
	v12 =	vshra.s32 v12, $0xA;
	v7 =	vor.u32 v1, v19;
	v16 =	vshra.s32 v20, $0xA  }
0x5a: {  	vm0 =	veq.s32 v17, v3  }
0x5b: {  	v10 =	vand.u32 $0x3FFF, v10;
	vm1 =	veq.s32 v15, v3  }
0x5c: {  	v11 =	vand.u32 $0x3FFF, v11;
	vm2 =	veq.s32 v13, v3  }
0x5d: {  	v9 =	vand.u32 $0x3FFF, v9;
	vm3 =	veq.s32 v14, v3  }
0x5e: {  	v8 =	vand.u32 $0x3FFF, v8;
	vm4 =	veq.s32 v16, v3  }
0x5f: {  	v4 =	vshra.s32 v4, $0xA;
	v6 =	vand.u32 $0x3FFF, v6;
	vm5 =	veq.s32 v12, v3  }
0x60: {  	v5 =	vor.u32 v1, v5;
	v7 =	vand.u32 $0x3FFF, v7;
	p0 =	seq.s32 s20, $0x3;
	vm6 =	veq.s32 v4, v3;
	[tilespmem:v10+s3+$0x0] =	vst.idx.add.s32.msk vm0, v2  }
0x61: {  	v4 =	vand.u32 $0x3FFF, v5;
	s21 =	sshll.u32 @!p0 s20, $0x1;
	[tilespmem:v11+s3+$0x0] =	vst.idx.add.s32.msk vm1, v2  }
0x62: {  	s21 =	sadd.s32 @!p0 $0x2, s21;
	[tilespmem:v9+s3+$0x0] =	vst.idx.add.s32.msk vm2, v2  }
0x63: {  	s22 =	sadd.s32 @!p0 s6, s21;
	[tilespmem:v8+s3+$0x0] =	vst.idx.add.s32.msk vm3, v2  }
0x64: {  	s21 =	sshll.u32 @!p0 s21, $0x7;
	s22 =	sshll.u32 @!p0 s22, $0xF;
	[tilespmem:v6+s3+$0x0] =	vst.idx.add.s32.msk vm4, v2  }
0x65: {  	s21 =	sand.u32 @!p0 $0x300, s21;
	s22 =	sand.u32 @!p0 $0x7C0000, s22;
	[tilespmem:v7+s3+$0x0] =	vst.idx.add.s32.msk vm5, v2  }
0x66: {  	s31 =	simm.s32 $0x8040;
	s21 =	sor.u32 @!p0 s22, s21;
	[tilespmem:v4+s3+$0x0] =	vst.idx.add.s32.msk vm6, v2  }
0x67: {  	s23 =	simm.s32 @!p0 $0x400;
	s21 =	sor.u32 @!p0 s4, s21;
	_ =	swait.ge [sflag:s18], $0x4000  }
0x68: {  	s24 =	simm.s32 @!p0 $0x4000;
	s21 =	sshrl.u32 @!p0 s21, $0x3;
	[sflag:s18] =	ssyncset.done $0x0  }
0x69: {  	s22 =	simm.s32 @!p0 $0x80;
	s21 =	sadd.s32 @!p0 s1, s21;
	[sflag:s18] =	ssyncadd.s32 $0xFFFFC000  }
0x6a: {  	[tilespmem:s24], [sflag:$0x1] =	stream.strided.gather @!p0 [hbm4b:s21+s22], $0x4000, s23, s22, $0x38;
	[tilespmem:$0xC080] =	vst v63  }
0x6b: {  	v4 =	vld [tilespmem:s31+$0x30]  }
0x6c: {  	v5 =	vld [tilespmem:s31+$0xFFFFFFD0]  }
0x6d: {  	v6 =	vld [tilespmem:s31+$0xFFFFFFE0]  }
0x6e: {  	v8 =	vld [tilespmem:s31+$0x0]  }
0x6f: {  	v13 =	vld [tilespmem:s31+$0xFFFFFFC0];
	_ =	sdelay $0x1  }
0x70: {  	v7 =	vld [tilespmem:s31+$0xFFFFFFF0];
	_ =	sdelay $0x1  }
0x71: {  	v10 =	vshra.s32 v4, $0x1F;
	v11 =	vshra.s32 v5, $0x1F;
	v14 =	vshra.s32 v6, $0x1F  }
0x72: {  	v9 =	vld [tilespmem:s31+$0x10];
	v16 =	vshra.s32 v8, $0x1F;
	v17 =	vshra.s32 v13, $0x1F;
	v10 =	vand.u32 $0x7FFFFFFF, v10  }
0x73: {  	v12 =	vld [tilespmem:s31+$0x20];
	v11 =	vand.u32 $0x7FFFFFFF, v11;
	v17 =	vand.u32 $0x7FFFFFFF, v17;
	v4 =	vxor.u32 v4, v10  }
0x74: {  	v10 =	vshra.s32 v7, $0x1F;
	v19 =	vxor.u32 v5, v11;
	v11 =	vxor.u32 v13, v17  }
0x75: {  	v15 =	vshll.u32 v4, $0x4;
	v4 =	vshra.s32 v4, $0xA;
	v10 =	vand.u32 $0x7FFFFFFF, v10  }
0x76: {  	v17 =	vshra.s32 v11, $0xA;
	v15 =	vor.u32 v1, v15;
	vm15 =	veq.s32 v4, v3  }
0x77: {  	v4 =	vand.u32 $0x7FFFFFFF, v14;
	v14 =	vshra.s32 v9, $0x1F;
	v7 =	vxor.u32 v7, v10  }
0x78: {  	v18 =	vand.u32 $0x3FFF, v15;
	v15 =	vand.u32 $0x7FFFFFFF, v16;
	v16 =	vshra.s32 v12, $0x1F  }
0x79: {  	v14 =	vand.u32 $0x7FFFFFFF, v14;
	v6 =	vxor.u32 v6, v4;
	v16 =	vand.u32 $0x7FFFFFFF, v16  }
0x7a: {  	v20 =	vxor.u32 v8, v15;
	v8 =	vshll.u32 v11, $0x4;
	v21 =	vxor.u32 v9, v14  }
0x7b: {  	v9 =	vshll.u32 v19, $0x4;
	v14 =	vshll.u32 v7, $0x4;
	v15 =	vshra.s32 v19, $0xA  }
0x7c: {  	v13 =	vshra.s32 v6, $0xA;
	v4 =	vxor.u32 v12, v16;
	v12 =	vshll.u32 v6, $0x4  }
0x7d: {  	v16 =	vshll.u32 v20, $0x4;
	v22 =	vshll.u32 v21, $0x4;
	v10 =	vor.u32 v1, v8  }
0x7e: {  	v11 =	vor.u32 v1, v9;
	v8 =	vor.u32 v1, v14;
	v14 =	vshra.s32 v7, $0xA  }
0x7f: {  	v5 =	vshll.u32 v4, $0x4;
	v9 =	vor.u32 v1, v12;
	v6 =	vor.u32 v1, v16  }
0x80: {  	s21 =	simm.s32 $0x0;
	s22 =	simm.s32 $0x80C0;
	v16 =	vshra.s32 v20, $0xA;
	v7 =	vor.u32 v1, v22;
	v12 =	vshra.s32 v21, $0xA;
	[tilespmem:v18+s3+$0x0] =	vst.idx.add.s32.msk vm15, v2  }
.LBB2_7:
0x81: {  	v18 =	vld [tilespmem:s22+$0x30];
	s21 =	sadd.s32 $0x80, s21;
	vm4 =	veq.s32 v17, v3;
	v5 =	vor.u32 v1, v5;
	v4 =	vshra.s32 v4, $0xA  }
0x82: {  	v10 =	vand.u32 $0x3FFF, v10;
	vm6 =	veq.s32 v15, v3;
	v11 =	vand.u32 $0x3FFF, v11;
	v17 =	vld [tilespmem:s22+$0xFFFFFFD0];
	p0 =	slt.u32 s21, $0x3F80  }
0x83: {  	vm5 =	veq.s32 v13, v3;
	v9 =	vand.u32 $0x3FFF, v9;
	vm3 =	veq.s32 v14, v3;
	v15 =	vld [tilespmem:s22+$0xFFFFFFE0]  }
0x84: {  	v8 =	vand.u32 $0x3FFF, v8;
	vm2 =	veq.s32 v16, v3;
	v6 =	vand.u32 $0x3FFF, v6;
	v13 =	vld [tilespmem:s22+$0xFFFFFFF0]  }
0x85: {  	vm1 =	veq.s32 v12, v3;
	v7 =	vand.u32 $0x3FFF, v7;
	vm0 =	veq.s32 v4, v3;
	v14 =	vld [tilespmem:s22+$0x0]  }
0x86: {  	v5 =	vand.u32 $0x3FFF, v5;
	v4 =	vld [tilespmem:s22+$0x10];
	v12 =	vshra.s32 v18, $0x1F  }
0x87: {  	v16 =	vshra.s32 v17, $0x1F;
	v19 =	vld [tilespmem:s22+$0x20];
	v12 =	vand.u32 $0x7FFFFFFF, v12  }
0x88: {  	v20 =	vld [tilespmem:s22+$0xFFFFFFC0];
	v16 =	vand.u32 $0x7FFFFFFF, v16;
	v21 =	vshra.s32 v15, $0x1F;
	v12 =	vxor.u32 v18, v12  }
0x89: {  	v18 =	vshra.s32 v13, $0x1F;
	v22 =	vshll.u32 v12, $0x4;
	v12 =	vshra.s32 v12, $0xA;
	[tilespmem:v10+s3+$0x0] =	vst.idx.add.s32.msk vm4, v2  }
0x8a: {  	v10 =	vshra.s32 v14, $0x1F;
	v22 =	vor.u32 v1, v22;
	vm4 =	veq.s32 v12, v3;
	[tilespmem:v11+s3+$0x0] =	vst.idx.add.s32.msk vm6, v2  }
0x8b: {  	v11 =	vand.u32 $0x7FFFFFFF, v21;
	v12 =	vshra.s32 v4, $0x1F;
	v21 =	vand.u32 $0x3FFF, v22;
	[tilespmem:v9+s3+$0x0] =	vst.idx.add.s32.msk vm5, v2  }
0x8c: {  	v9 =	vand.u32 $0x7FFFFFFF, v18;
	v10 =	vand.u32 $0x7FFFFFFF, v10;
	v18 =	vshra.s32 v19, $0x1F;
	[tilespmem:v8+s3+$0x0] =	vst.idx.add.s32.msk vm3, v2  }
0x8d: {  	v12 =	vand.u32 $0x7FFFFFFF, v12;
	v8 =	vshra.s32 v20, $0x1F;
	v18 =	vand.u32 $0x7FFFFFFF, v18;
	[tilespmem:v6+s3+$0x0] =	vst.idx.add.s32.msk vm2, v2  }
0x8e: {  	v6 =	vand.u32 $0x7FFFFFFF, v8;
	v8 =	vxor.u32 v17, v16;
	v16 =	vxor.u32 v15, v11;
	[tilespmem:v7+s3+$0x0] =	vst.idx.add.s32.msk vm1, v2  }
0x8f: {  	v7 =	vxor.u32 v13, v9;
	v6 =	vxor.u32 v20, v6;
	v20 =	vxor.u32 v14, v10  }
0x90: {  	v12 =	vxor.u32 v4, v12;
	v4 =	vxor.u32 v19, v18;
	v9 =	vshll.u32 v6, $0x4;
	[tilespmem:v21+s3+$0x0] =	vst.idx.add.s32.msk vm4, v2  }
0x91: {  	v11 =	vshll.u32 v8, $0x4;
	v13 =	vshll.u32 v16, $0x4;
	v14 =	vshll.u32 v7, $0x4;
	[tilespmem:v5+s3+$0x0] =	vst.idx.add.s32.msk vm0, v2  }
.Ltmp2:
0x92: {  	v19 =	vshll.u32 v12, $0x4;
	v18 =	vshll.u32 v20, $0x4;
	v5 =	vshll.u32 v4, $0x4;
	(pc) =	sbr.rel @p0 .LBB2_7-.Ltmp2, $4  }
0x93: {  	v17 =	vshra.s32 v6, $0xA;
	v11 =	vor.u32 v1, v11;
	v10 =	vor.u32 v1, v9  }
0x94: {  	v15 =	vshra.s32 v8, $0xA;
	v9 =	vor.u32 v1, v13;
	v13 =	vshra.s32 v16, $0xA  }
0x95: {  	v8 =	vor.u32 v1, v14;
	v14 =	vshra.s32 v7, $0xA;
	v6 =	vor.u32 v1, v18  }
0x96: {  	s22 =	sadd.s32 $0x80, s22;
	v12 =	vshra.s32 v12, $0xA;
	v7 =	vor.u32 v1, v19;
	v16 =	vshra.s32 v20, $0xA  }
0x97: {  	vm0 =	veq.s32 v17, v3  }
0x98: {  	v10 =	vand.u32 $0x3FFF, v10;
	vm1 =	veq.s32 v15, v3  }
0x99: {  	v11 =	vand.u32 $0x3FFF, v11;
	vm2 =	veq.s32 v13, v3  }
0x9a: {  	v9 =	vand.u32 $0x3FFF, v9;
	vm3 =	veq.s32 v14, v3  }
0x9b: {  	v8 =	vand.u32 $0x3FFF, v8;
	vm4 =	veq.s32 v16, v3  }
0x9c: {  	v4 =	vshra.s32 v4, $0xA;
	v6 =	vand.u32 $0x3FFF, v6;
	vm5 =	veq.s32 v12, v3  }
0x9d: {  	v5 =	vor.u32 v1, v5;
	v7 =	vand.u32 $0x3FFF, v7;
	s20 =	sadd.s32 $0x1, s20;
	vm6 =	veq.s32 v4, v3;
	[tilespmem:v10+s3+$0x0] =	vst.idx.add.s32.msk vm0, v2  }
0x9e: {  	v4 =	vand.u32 $0x3FFF, v5;
	p0 =	sne.s32 s20, $0x4;
	[tilespmem:v11+s3+$0x0] =	vst.idx.add.s32.msk vm1, v2  }
.Ltmp3:
0x9f: {  	[tilespmem:v9+s3+$0x0] =	vst.idx.add.s32.msk vm2, v2;
	(pc) =	sbr.rel @p0 .LBB2_4-.Ltmp3, $4  }
0xa0: {  	[tilespmem:v8+s3+$0x0] =	vst.idx.add.s32.msk vm3, v2  }
0xa1: {  	[tilespmem:v6+s3+$0x0] =	vst.idx.add.s32.msk vm4, v2  }
0xa2: {  	[tilespmem:v7+s3+$0x0] =	vst.idx.add.s32.msk vm5, v2  }
0xa3: {  	[tilespmem:v4+s3+$0x0] =	vst.idx.add.s32.msk vm6, v2  }
0xa4: {  	s19 =	sadd.s32 $0x1, s19  }
0xa5: {  	p0 =	sne.s32 s19, s10  }
.Ltmp4:
0xa6: {  	_ = 	snop;
	(pc) =	sbr.rel @p0 .LBB2_1-.Ltmp4, $4  }
0xa7: {  	[hbm4b:s9+s13] =	stream.strided.scatter [tilespmem:s3], [sflag:$0x3], $0x4000, s14, s13, $0x38;
	[tilespmem:$0xC080] =	vst v63  }
0xa8: {  	_ =	swait.ge [sflag:s12], $0x4000  }
0xa9: {  	[sflag:s12] =	ssyncset.done $0x0  }
0xaa: {  	[sflag:s12] =	ssyncadd.s32 $0xFFFFC000  }
0xab: {  	_ =	sfence.sel $0x180000  }
0xac: {  	[bflag:$0x0] =	sbarrier.arrive $0xFFFF  }
0xad: {  	p0 =	sne.s32 s2, $0x0;
	_ =	strace $0x9000004D  }
0xae: {  	s0 =	sadd.s32 @!p0 $0x100000, s0;
	[bflag:$0x2] =	sbarrier.arrive $0xFFFF  }
0xaf: {  	[sflag:s0] =	ssyncadd.tile.s32 @!p0 $0x1;
	_ =	shalt  }
.Lfunc_end2:
_tile_overlayer_lowered:
.L_overlay_start_2:
0xb0: {  	(tag) =	ssettag $0x2  }
0xb1: {  	s0 =	rddreg [dreg:$0x0];
	s2 =	stileid.u32  }
0xb2: {  	s1 =	rddreg [dreg:$0x1];
	p0 =	sne.s32 s2, $0x0  }
0xb3: {  	s3 =	rddreg [dreg:$0x2];
	[bflag:$0x3] =	sbarrier.arrive $0xFFFF;
	s2 =	simm.s32 @!p0 $0x1C03  }
0xb4: {  	[timem:s3], [sflag:s2] =	dma.local @!p0 [hbm:s0], s1  }
0xb5: {  	s0 =	simm.s32 @!p0 $0x3  }
0xb6: {  	_ =	swait.ge @!p0 [sflag:s0], s1  }
0xb7: {  	s1 =	ssub.s32 @!p0 $0x0, s1;
	[sflag:s0] =	ssyncset.done @!p0 $0x0  }
0xb8: {  	[sflag:s0] =	ssyncadd.s32 @!p0 s1  }
0xb9: {  	[bflag:$0x3] =	sbarrier.arrive $0xFFFF  }
0xba: {  	_ =	shalt  }

// kernel: kernel.9.cloned.1.call-start
scs
__scs_entry_jumppad:
0x0: {  	(pc) =	sbr.rel $0x88, $3  }
0x1: {  	(tag) =	ssettag $0x0;
	lr =	simm.s32 $0x1  }
0x2: {  	[smem:$0x3FA0] =	sst lr;
	_ =	strace $0xD0000000  }
0x3: {  	_ = 	snop  }
0x4: {  	_ = 	snop  }
0x5: {  	_ = 	snop  }
0x6: {  	_ = 	snop  }
0x7: {  	_ = 	snop  }
__scs_overlays_trampoline_lowered:
0x8: {  	[smem:$0x3FAF] =	sst s0  }
0x9: {  	[smem:$0x3FB0] =	sst s1  }
0xa: {  	[smem:$0x3FB1] =	sst s2  }
0xb: {  	[smem:$0x3FB2] =	sst s3  }
0xc: {  	[smem:$0x3FB3] =	sst s4  }
0xd: {  	[smem:$0x3FB4] =	sst s5  }
0xe: {  	[smem:$0x3FB5] =	sst s6  }
0xf: {  	[smem:$0x3FB6] =	sst s7  }
0x10: {  	[smem:$0x3FB7] =	sst s8  }
0x11: {  	[smem:$0x3FB8] =	sst s9;
	s0 =	simm.s32 @!p0 $0x0  }
0x12: {  	s1 =	sld [smem:$0x3F9E];
	s0 =	simm.s32 @p0 $0x1  }
0x13: {  	[smem:$0x3FB9] =	sst s0;
	s0 =	simm.s32 @!p1 $0x0  }
0x14: {  	s2 =	sld [smem:$0x3F9D];
	s0 =	simm.s32 @p1 $0x1  }
0x15: {  	[smem:$0x3FBA] =	sst s0;
	s0 =	simm.s32 @!p2 $0x0  }
0x16: {  	s3 =	sld [smem:$0x3FDB];
	s0 =	simm.s32 @p2 $0x1  }
0x17: {  	s4 =	simm.s32 $0x1BF5;
	[smem:$0x3FBC] =	sst s0  }
0x18: {  	s0 =	sld [smem:$0x3F9F];
	_ =	swait.ge [sflag:s4], $0x0  }
0x19: {  	s7 =	sld [smem:$0x3FA0]  }
0x1a: {  	s8 =	sadd.s32 $0xFFFFE003, lr  }
0x1b: {  	s9 =	sadd.s32 $0xFFFFFEF7, lr;
	s5 =	simm.s32 $0xFFFFFFFF;
	p2 =	slt.u32 s8, $0xFFFFF086  }
0x1c: {  	p1 =	slt.u32 s9, $0xF7A;
	s5 =	simm.s32 @!p2 $0x0  }
0x1d: {  	s5 =	simm.s32 @p1 $0x1;
	p0 =	seq.s32 s7, s2  }
0x1e: {  	s7 =	smul.u32 @!p0 $0xF7A, s2;
	p2 =	seq.s32 @!p0 s5, $0x0  }
0x1f: {  	s9 =	smul.u32 $0xF7A, s1;
	s8 =	simm.s32 @!p0 $0x1BF5;
	p2 =	por !p2, p0  }
0x20: {  	[sflag:s8] =	ssyncset.s32 @!p0 $0xFFFFF086;
	s6 =	sadd.s32 @!p0 s3, s7;
	s7 =	simm.s32 @!p0 $0x108  }
0x21: {  	s3 =	sadd.s32 s3, s9;
	s6 =	sadd.s32 @!p0 $0x88, s6;
	s7 =	simm.s32 @p2 $0x1082  }
0x22: {  	[simem:s7], [sflag:s8] =	dma.local @!p0 [hbm:s6], $0xF7A  }
0x23: {  	s9 =	sor.u32 $0xD0000000, s2;
	s6 =	simm.s32 $0x108;
	_ =	swait.ge @!p0 [sflag:s8], $0x0  }
0x24: {  	s3 =	sadd.s32 $0x88, s3;
	s6 =	simm.s32 @!p1 $0x1082;
	[sflag:s4] =	ssyncset.s32 $0xFFFFF086  }
0x25: {  	[simem:s6], [sflag:s4] =	dma.local [hbm:s3], $0xF7A  }
0x26: {  	[smem:$0x3FA0] =	sst s1;
	(tag) =	ssettag s2;
	_ =	strace s9  }
0x27: {  	s1 =	sld [smem:$0x3FB0]  }
0x28: {  	s2 =	sld [smem:$0x3FB1]  }
0x29: {  	s4 =	sld [smem:$0x3FB3]  }
0x2a: {  	p0 =	seq.s32 s5, $0x0;
	s5 =	sld [smem:$0x3FB4]  }
0x2b: {  	s6 =	sld [smem:$0x3FB5]  }
0x2c: {  	s7 =	sld [smem:$0x3FB6]  }
0x2d: {  	s3 =	simm.s32 $0x108;
	s8 =	sld [smem:$0x3FB7]  }
0x2e: {  	s3 =	simm.s32 @!p0 $0x1082;
	s9 =	sld [smem:$0x3FB8]  }
0x2f: {  	lr =	sadd.s32 s0, s3;
	s0 =	sld [smem:$0x3FAF]  }
0x30: {  	s3 =	sld [smem:$0x3FB2]  }
0x31: {  	[smem:$0x3FBB] =	sst s10  }
0x32: {  	s10 =	sld [smem:$0x3FB9];
	_ =	sdelay $0x3  }
0x33: {  	p0 =	seq.s32 s10, $0x1;
	s10 =	sld [smem:$0x3FBB];
	_ =	sdelay $0x3  }
0x34: {  	[smem:$0x3FBB] =	sst s10  }
0x35: {  	s10 =	sld [smem:$0x3FBA];
	_ =	sdelay $0x3  }
0x36: {  	p1 =	seq.s32 s10, $0x1;
	s10 =	sld [smem:$0x3FBB];
	_ =	sdelay $0x3  }
0x37: {  	[smem:$0x3FBB] =	sst s10  }
0x38: {  	s10 =	sld [smem:$0x3FBC]  }
0x39: {  	_ = 	snop;
	(pc) =	sbr.ind lr, $3  }
0x3a: {  	_ = 	snop  }
0x3b: {  	_ = 	snop  }
0x3c: {  	p2 =	seq.s32 s10, $0x1;
	s10 =	sld [smem:$0x3FBB]  }
0x3d: {  	_ =	shalt  }
0x3e: {  	_ =	shalt  }
0x3f: {  	_ =	shalt  }
0x40: {  	_ =	shalt  }
0x41: {  	_ =	shalt  }
0x42: {  	_ =	shalt  }
0x43: {  	_ =	shalt  }
0x44: {  	_ =	shalt  }
0x45: {  	_ =	shalt  }
0x46: {  	_ =	shalt  }
0x47: {  	_ =	shalt  }
0x48: {  	_ =	shalt  }
0x49: {  	_ =	shalt  }
0x4a: {  	_ =	shalt  }
0x4b: {  	_ =	shalt  }
0x4c: {  	_ =	shalt  }
0x4d: {  	_ =	shalt  }
0x4e: {  	_ =	shalt  }
0x4f: {  	_ =	shalt  }
0x50: {  	_ =	shalt  }
0x51: {  	_ =	shalt  }
0x52: {  	_ =	shalt  }
0x53: {  	_ =	shalt  }
0x54: {  	_ =	shalt  }
0x55: {  	_ =	shalt  }
0x56: {  	_ =	shalt  }
0x57: {  	_ =	shalt  }
0x58: {  	_ =	shalt  }
0x59: {  	_ =	shalt  }
0x5a: {  	_ =	shalt  }
0x5b: {  	_ =	shalt  }
0x5c: {  	_ =	shalt  }
0x5d: {  	_ =	shalt  }
0x5e: {  	_ =	shalt  }
0x5f: {  	_ =	shalt  }
0x60: {  	_ =	shalt  }
0x61: {  	_ =	shalt  }
0x62: {  	_ =	shalt  }
0x63: {  	_ =	shalt  }
0x64: {  	_ =	shalt  }
0x65: {  	_ =	shalt  }
0x66: {  	_ =	shalt  }
0x67: {  	_ =	shalt  }
0x68: {  	_ =	shalt  }
0x69: {  	_ =	shalt  }
0x6a: {  	_ =	shalt  }
0x6b: {  	_ =	shalt  }
0x6c: {  	_ =	shalt  }
0x6d: {  	_ =	shalt  }
0x6e: {  	_ =	shalt  }
0x6f: {  	_ =	shalt  }
0x70: {  	_ =	shalt  }
0x71: {  	_ =	shalt  }
0x72: {  	_ =	shalt  }
0x73: {  	_ =	shalt  }
0x74: {  	_ =	shalt  }
0x75: {  	_ =	shalt  }
0x76: {  	_ =	shalt  }
0x77: {  	_ =	shalt  }
0x78: {  	_ =	shalt  }
0x79: {  	_ =	shalt  }
0x7a: {  	_ =	shalt  }
0x7b: {  	_ =	shalt  }
0x7c: {  	_ =	shalt  }
0x7d: {  	_ =	shalt  }
0x7e: {  	_ =	shalt  }
0x7f: {  	_ =	shalt  }
0x80: {  	_ =	shalt  }
0x81: {  	_ =	shalt  }
0x82: {  	_ =	shalt  }
0x83: {  	_ =	shalt  }
0x84: {  	_ =	shalt  }
0x85: {  	_ =	shalt  }
0x86: {  	_ =	shalt  }
0x87: {  	_ =	shalt  }
.Lfunc_end0:
.L_simem_size_0:
called_computation_lowered:
.L_overlay_start_0:
0x88: {  	s2 =	sld [smem:$0x3FD9]  }
0x89: {  	s3 =	sld [smem:$0x3FFE];
	_ =	sdelay $0x1  }
0x8a: {  	s1 =	srdreg.scid  }
0x8b: {  	s0 =	sand.u32 $0x1, s1  }
0x8c: {  	s18 =	sshll.u32 s0, $0xA;
	s2 =	sadd.s32 s3, s2  }
0x8d: {  	s2 =	sadd.s32 s2, s18  }
0x8e: {  	[smem:$0x3FC7] =	sst s2  }
0x8f: {  	_ = 	snop  }
0x90: {  	s2 =	sld [smem:$0x3FC9]  }
0x91: {  	s19 =	sld [smem:$0x3FD0];
	(tm) =	ssettm $0x1  }
0x92: {  	s4 =	sld [smem:$0x3FFB];
	_ =	sdelay $0x3  }
0x93: {  	_ =	strace s4  }
0x94: {  	s4 =	sld [smem:$0x3FFC];
	_ =	sdelay $0x3  }
0x95: {  	_ =	strace s4  }
0x96: {  	s4 =	sld [smem:$0x3FFD];
	_ =	sdelay $0x3  }
0x97: {  	_ =	strace s4  }
0x98: {  	_ =	strace $0x8FFFFFFF  }
0x99: {  	s20 =	sld [smem:$0x3FDB];
	_ =	sdelay $0x1  }
0x9a: {  	s5 =	simm.s32 $_scs_section_size  }
0x9b: {  	s6 =	simm.s32 $_size__tile_overlayer_lowered;
	s7 =	simm.s32 $_tile_overlayer_lowered  }
0x9c: {  	s23 =	simm.s32 $0x1BFF;
	s22 =	sshll.u32 s7, $0x1;
	s4 =	sadd.s32 s5, s20  }
0x9d: {  	s8 =	simm.s32 $0x0;
	s21 =	sshll.u32 s6, $0x1;
	s6 =	sadd.s32 s22, s4  }
0x9e: {  	[timem:s8], [sflag:s23] =	dma.local [hbm:s6], s21  }
0x9f: {  	_ =	swait.ge [sflag:s23], s21  }
0xa0: {  	s5 =	ssub.s32 $0x0, s21;
	[sflag:s23] =	ssyncset.done $0x0  }
0xa1: {  	[sflag:s23] =	ssyncadd.s32 s5;
	_ =	sdelay $0x1  }
0xa2: {  	s24 =	simm.s32 $0x1B8B  }
0xa3: {  	_ =	swait.ge [sflag:s24], $0x1  }
0xa4: {  	[sflag:s24] =	ssyncset.done $0x0  }
0xa5: {  	s25 =	simm.s32 $0x1B8E;
	[sflag:s24] =	ssyncadd.s32 $0xFFFFFFFF  }
0xa6: {  	s26 =	simm.s32 $execute0_lowered;
	[smem:$0x3FD2] =	sst s25  }
0xa7: {  	s5 =	sshll.u32 s26, $0x1;
	_ =	strace $0x80000046;
	[dreg:$0x1] =	wrdreg $0xFFFFFFFF  }
0xa8: {  	s28 =	simm.s32 $_size_execute0_lowered;
	s4 =	sadd.s32 s4, s5;
	[dreg:$0x0] =	wrdreg $0x0  }
0xa9: {  	s5 =	sshll.u32 s28, $0x1;
	[dreg:$0x2] =	wrdreg s4  }
0xaa: {  	[dreg:$0x3] =	wrdreg s5  }
0xab: {  	[dreg:$0x4] =	wrdreg $0xC0  }
0xac: {  	_ =	task [dreg:s8], $0x5FFFF  }
0xad: {  	[dreg:$0x1] =	wrdreg $0xFFFFFFFF  }
0xae: {  	[dreg:$0x0] =	wrdreg $0x60  }
0xaf: {  	[dreg:$0x2] =	wrdreg s2  }
0xb0: {  	[dreg:$0x3] =	wrdreg s19  }
0xb1: {  	[dreg:$0x4] =	wrdreg $0x9  }
0xb2: {  	_ =	task.clear_ibuf [dreg:s8], $0x5FFFF;
	_ =	strace $0x90000046  }
0xb3: {  	s29 =	simm.s32 $0x9;
	_ =	strace $0x80000048  }
0xb4: {  	_ =	swait.ge [sflag:s29], $0x1  }
0xb5: {  	[sflag:s29] =	ssyncadd.s32 $0xFFFFFFFF  }
0xb6: {  	_ =	strace $0x90000048  }
0xb7: {  	_ =	sfence  }
0xb8: {  	s30 =	sld [smem:$0x0];
	_ =	sdelay $0x2  }
0xb9: {  	s31 =	sshll.u32 s1, $0xD;
	s1 =	sshrl.u32 s1, $0x2  }
0xba: {  	s3 =	sand.u32 $0x4000, s31;
	s1 =	sadd.s32 s1, s30  }
0xbb: {  	s0 =	sor.u32 s3, s0;
	s1 =	sshll.u32 s1, $0x11  }
0xbc: {  	s0 =	sor.u32 s1, s0  }
0xbd: {  	s0 =	sadd.s32 $0x8F2B, s0  }
0xbe: {  	[sflag:s0] =	ssyncadd.remote.s32 $0x1  }
0xbf: {  	_ =	sfence.sel $0xFFFF  }
0xc0: {  	[dreg:$0x0] =	wrdreg $0xFFFFFFFF;
	(pc) =	sbr.abs _section_cstart, $3  }
0xc1: {  	[dreg:$0x1] =	wrdreg $0xFFFFFFFF  }
0xc2: {  	_ =	task.clear_ibuf [dreg:s8], $0x2FFFF;
	_ =	strace $0x9FFFFFFF  }
0xc3: {  	(tm) =	ssettm $0x7FFFFFFF  }
tec
execute0_lowered:
.L_overlay_start_1:
0x0: {  	(tag) =	ssettag $0x1  }
0x1: {  	s1 =	rddreg [dreg:$0x0]  }
0x2: {  	s6 =	rddreg [dreg:$0x1]  }
0x3: {  	s2 =	srdreg.scid;
	s0 =	rddreg [dreg:$0x2];
	s3 =	simm.s32 $0x0  }
0x4: {  	s13 =	simm.s32 $0x1;
	s14 =	simm.s32 $0xC000;
	s15 =	simm.s32 $0x2  }
0x5: {  	s16 =	simm.s32 $0x3;
	s17 =	simm.s32 $0x0;
	s4 =	sand.u32 $0x1, s2  }
0x6: {  	[smem:$0x7FF] =	sst s3;
	s2 =	stileid.u32;
	s5 =	sshll.u32 s4, $0x4  }
0x7: {  	_ =	strace $0x80000047;
	s29 =	ssub.s32 $0x2, s4;
	s30 =	sshll.u32 s2, $0x11  }
0x8: {  	s10 =	sshll.u32 s2, $0x4;
	s7 =	sor.u32 s2, s5;
	s9 =	sshrl.u32 s29, $0x1  }
0x9: {  	s4 =	sand.u32 $0x20000, s30;
	s10 =	sand.u32 $0x70, s10;
	s8 =	sshll.u32 s7, $0x11  }
0xa: {  	s9 =	ssub.s32 s29, s9;
	s31 =	sshll.u32 s7, $0x2;
	s7 =	sshll.u32 s7, $0xC  }
0xb: {  	s10 =	sadd.s32 s6, s10;
	s8 =	sand.u32 $0x3C0000, s8;
	s5 =	sand.u32 $0x78, s31  }
0xc: {  	s12 =	sand.u32 $0x18000, s7;
	s8 =	sor.u32 s4, s8;
	s11 =	sshll.u32 s5, $0xF  }
0xd: {  	s9 =	smax.u32 s9, $0x1;
	s8 =	sshrl.u32 s8, $0x3;
	s11 =	sor.u32 s4, s11  }
0xe: {  	v1 =	vlaneseq.u32;
	s6 =	sadd.s32 s1, s8;
	s7 =	sor.u32 $0x80, s11;
	s8 =	sadd.s32 s12, s10  }
0xf: {  	v0 =	vimm.s32 $0x0;
	v2 =	vimm.s32 $0x1;
	v1 =	vor.u32 $0x4000, v1;
	s10 =	simm.s32 $0x80;
	s11 =	simm.s32 $0x400;
	s12 =	simm.s32 $0x8000  }
.LBB2_1:
0x10: {  	s18 =	simm.s32 $0x40  }
0x11: {  	[tilespmem:s18+$0xFFFFFFC0] =	vst v0  }
0x12: {  	[tilespmem:s18+$0x30] =	vst v0  }
0x13: {  	[tilespmem:s18+$0x20] =	vst v0  }
0x14: {  	[tilespmem:s18+$0x10] =	vst v0  }
0x15: {  	[tilespmem:s18+$0x0] =	vst v0  }
0x16: {  	[tilespmem:s18+$0xFFFFFFF0] =	vst v0  }
0x17: {  	s19 =	simm.s32 $0x0;
	[tilespmem:s18+$0xFFFFFFE0] =	vst v0  }
.LBB2_2:
0x18: {  	s19 =	sadd.s32 $0x80, s19;
	[tilespmem:s18+$0xFFFFFFD0] =	vst v0;
	s18 =	sadd.s32 $0x80, s18  }
0x19: {  	[tilespmem:s18+$0xFFFFFFC0] =	vst v0;
	p0 =	slt.u32 s19, $0x7F80  }
0x1a: {  	[tilespmem:s18+$0x30] =	vst v0  }
.Ltmp0:
0x1b: {  	[tilespmem:s18+$0x20] =	vst v0;
	(pc) =	sbr.rel @p0 .LBB2_2-.Ltmp0, $4  }
0x1c: {  	[tilespmem:s18+$0x10] =	vst v0  }
0x1d: {  	[tilespmem:s18+$0x0] =	vst v0  }
0x1e: {  	[tilespmem:s18+$0xFFFFFFF0] =	vst v0  }
0x1f: {  	[tilespmem:s18+$0xFFFFFFE0] =	vst v0  }
0x20: {  	[tilespmem:s18+$0xFFFFFFD0] =	vst v0;
	s18 =	simm.s32 $0x0  }
0x21: {  	[tilespmem:s12], [sflag:$0x1] =	stream.strided.gather [hbm4b:s6+s10], $0x4000, s11, s10, $0x38;
	[tilespmem:$0x10000] =	vst v63  }
.LBB2_4:
0x22: {  	s19 =	sshll.u32 s18, $0x8  }
0x23: {  	_ =	swait.ge [sflag:s13], $0x4000;
	s19 =	sadd.s32 s7, s19  }
0x24: {  	[sflag:s13] =	ssyncset.done $0x0;
	s19 =	sshrl.u32 s19, $0x3  }
0x25: {  	s20 =	simm.s32 $0x8040;
	[sflag:s13] =	ssyncadd.s32 $0xFFFFC000;
	s19 =	sadd.s32 s1, s19  }
0x26: {  	[tilespmem:s14], [sflag:$0x2] =	stream.strided.gather [hbm4b:s19+s10], $0x4000, s11, s10, $0x38;
	[tilespmem:$0x10000] =	vst v63  }
0x27: {  	v3 =	vld [tilespmem:s20+$0x30]  }
0x28: {  	v5 =	vld [tilespmem:s20+$0xFFFFFFE0]  }
0x29: {  	v6 =	vld [tilespmem:s20+$0x0]  }
0x2a: {  	v4 =	vld [tilespmem:s20+$0xFFFFFFC0]  }
0x2b: {  	v8 =	vld [tilespmem:s20+$0x20]  }
0x2c: {  	v9 =	vld [tilespmem:s20+$0xFFFFFFF0];
	_ =	sdelay $0x1  }
0x2d: {  	v7 =	vshra.s32 v5, $0x1F;
	v10 =	vshra.s32 v6, $0x1F;
	v11 =	vshra.s32 v3, $0x1F  }
0x2e: {  	v7 =	vand.u32 $0x7FE00000, v7;
	v12 =	vand.u32 $0x7FE00000, v10;
	v10 =	vshra.s32 v4, $0x1F  }
0x2f: {  	v11 =	vand.u32 $0x7FE00000, v11;
	v7 =	vxor.u32 v5, v7;
	v5 =	vld [tilespmem:s20+$0x10];
	v6 =	vxor.u32 v6, v12  }
0x30: {  	v12 =	vshra.s32 v8, $0x1F;
	v3 =	vxor.u32 v3, v11;
	v11 =	vshra.s32 v9, $0x1F  }
0x31: {  	v6 =	vshrl.u32 v6, $0x11;
	v12 =	vand.u32 $0x7FE00000, v12;
	v3 =	vshrl.u32 v3, $0x11  }
0x32: {  	v6 =	vand.u32 $0x7FF0, v6;
	v12 =	vxor.u32 v8, v12;
	v13 =	vand.u32 $0x7FF0, v3;
	v3 =	vld [tilespmem:s20+$0xFFFFFFD0]  }
0x33: {  	v8 =	vxor.u32 v1, v6;
	v6 =	vand.u32 $0x7FE00000, v11;
	v11 =	vshrl.u32 v12, $0x11  }
0x34: {  	s19 =	simm.s32 $0x0;
	s20 =	simm.s32 $0x80C0;
	v9 =	vxor.u32 v9, v6;
	v6 =	vxor.u32 v1, v13;
	v12 =	vshra.s32 v5, $0x1F  }
.LBB2_5:
0x35: {  	v13 =	vld [tilespmem:s20+$0x30];
	s19 =	sadd.s32 $0x80, s19;
	v10 =	vand.u32 $0x7FE00000, v10;
	v7 =	vshrl.u32 v7, $0x11;
	v12 =	vand.u32 $0x7FE00000, v12  }
0x36: {  	v14 =	vld [tilespmem:s20+$0xFFFFFFE0];
	p0 =	slt.u32 s19, $0x3F80;
	v4 =	vxor.u32 v4, v10;
	v7 =	vand.u32 $0x7FF0, v7;
	v5 =	vxor.u32 v5, v12  }
0x37: {  	v10 =	vshra.s32 v3, $0x1F;
	v12 =	vld [tilespmem:s20+$0x0];
	v15 =	vxor.u32 v1, v7;
	v5 =	vshrl.u32 v5, $0x11  }
0x38: {  	v7 =	vand.u32 $0x7FE00000, v10;
	[tilespmem:v8+s3+$0x0] =	vst.idx.add.s32.msk $0xffff, v2;
	v5 =	vand.u32 $0x7FF0, v5;
	v8 =	vand.u32 $0x7FF0, v11  }
0x39: {  	v10 =	vshrl.u32 v4, $0x11;
	v11 =	vld [tilespmem:s20+$0x20];
	v16 =	vxor.u32 v1, v5;
	v8 =	vxor.u32 v1, v8  }
0x3a: {  	v9 =	vshrl.u32 v9, $0x11;
	v7 =	vxor.u32 v3, v7;
	v5 =	vand.u32 $0x7FF0, v10;
	v4 =	vld [tilespmem:s20+$0xFFFFFFC0]  }
0x3b: {  	v17 =	vxor.u32 v1, v5;
	v5 =	vand.u32 $0x7FF0, v9;
	v3 =	vld [tilespmem:s20+$0xFFFFFFD0];
	v10 =	vshra.s32 v14, $0x1F  }
0x3c: {  	v7 =	vshrl.u32 v7, $0x11;
	v18 =	vxor.u32 v1, v5;
	v9 =	vand.u32 $0x7FE00000, v10;
	[tilespmem:v6+s3+$0x0] =	vst.idx.add.s32.msk $0xffff, v2  }
0x3d: {  	v19 =	vshra.s32 v13, $0x1F;
	v5 =	vshra.s32 v12, $0x1F;
	v10 =	vand.u32 $0x7FF0, v7;
	v6 =	vld [tilespmem:s20+$0xFFFFFFF0]  }
0x3e: {  	v7 =	vxor.u32 v14, v9;
	v9 =	vand.u32 $0x7FE00000, v5;
	v14 =	vxor.u32 v1, v10;
	v5 =	vld [tilespmem:s20+$0x10]  }
0x3f: {  	v9 =	vxor.u32 v12, v9;
	v12 =	vshra.s32 v11, $0x1F;
	v10 =	vshra.s32 v4, $0x1F;
	[tilespmem:v8+s3+$0x0] =	vst.idx.add.s32.msk $0xffff, v2  }
.Ltmp1:
0x40: {  	v8 =	vshrl.u32 v9, $0x11;
	v9 =	vand.u32 $0x7FE00000, v12;
	v12 =	vand.u32 $0x7FE00000, v19;
	[tilespmem:v15+s3+$0x0] =	vst.idx.add.s32.msk $0xffff, v2;
	(pc) =	sbr.rel @p0 .LBB2_5-.Ltmp1, $4  }
0x41: {  	v8 =	vand.u32 $0x7FF0, v8;
	v9 =	vxor.u32 v11, v9;
	v11 =	vxor.u32 v13, v12;
	[tilespmem:v16+s3+$0x0] =	vst.idx.add.s32.msk $0xffff, v2  }
0x42: {  	v8 =	vxor.u32 v1, v8;
	v13 =	vshrl.u32 v11, $0x11;
	v12 =	vshra.s32 v6, $0x1F;
	[tilespmem:v17+s3+$0x0] =	vst.idx.add.s32.msk $0xffff, v2  }
0x43: {  	v11 =	vshrl.u32 v9, $0x11;
	v13 =	vand.u32 $0x7FF0, v13;
	v12 =	vand.u32 $0x7FE00000, v12;
	[tilespmem:v14+s3+$0x0] =	vst.idx.add.s32.msk $0xffff, v2  }
0x44: {  	s20 =	sadd.s32 $0x80, s20;
	v9 =	vxor.u32 v6, v12;
	v12 =	vshra.s32 v5, $0x1F;
	v6 =	vxor.u32 v1, v13;
	[tilespmem:v18+s3+$0x0] =	vst.idx.add.s32.msk $0xffff, v2  }
0x45: {  	_ =	sdelay $0x2  }
0x46: {  	v10 =	vand.u32 $0x7FE00000, v10;
	v7 =	vshrl.u32 v7, $0x11;
	v12 =	vand.u32 $0x7FE00000, v12  }
0x47: {  	v11 =	vand.u32 $0x7FF0, v11;
	[tilespmem:v8+s3+$0x0] =	vst.idx.add.s32.msk $0xffff, v2;
	v8 =	vshrl.u32 v9, $0x11;
	v4 =	vxor.u32 v4, v10  }
0x48: {  	v7 =	vand.u32 $0x7FF0, v7;
	v5 =	vxor.u32 v5, v12;
	v10 =	vshra.s32 v3, $0x1F  }
0x49: {  	v11 =	vxor.u32 v1, v11;
	v8 =	vand.u32 $0x7FF0, v8;
	v7 =	vxor.u32 v1, v7  }
0x4a: {  	v5 =	vshrl.u32 v5, $0x11;
	v10 =	vand.u32 $0x7FE00000, v10;
	v4 =	vshrl.u32 v4, $0x11  }
0x4b: {  	[tilespmem:v6+s3+$0x0] =	vst.idx.add.s32.msk $0xffff, v2;
	v6 =	vxor.u32 v1, v8;
	v5 =	vand.u32 $0x7FF0, v5;
	v3 =	vxor.u32 v3, v10  }
0x4c: {  	v4 =	vand.u32 $0x7FF0, v4;
	v5 =	vxor.u32 v1, v5;
	v3 =	vshrl.u32 v3, $0x11  }
0x4d: {  	p0 =	seq.s32 s18, $0x3;
	v4 =	vxor.u32 v1, v4;
	v3 =	vand.u32 $0x7FF0, v3  }
0x4e: {  	s19 =	sshll.u32 @!p0 s18, $0x1;
	v3 =	vxor.u32 v1, v3;
	[tilespmem:v11+s3+$0x0] =	vst.idx.add.s32.msk $0xffff, v2  }
0x4f: {  	s19 =	sadd.s32 @!p0 $0x2, s19;
	[tilespmem:v7+s3+$0x0] =	vst.idx.add.s32.msk $0xffff, v2  }
0x50: {  	s20 =	sadd.s32 @!p0 s5, s19;
	[tilespmem:v6+s3+$0x0] =	vst.idx.add.s32.msk $0xffff, v2  }
0x51: {  	s19 =	sshll.u32 @!p0 s19, $0x7;
	s20 =	sshll.u32 @!p0 s20, $0xF;
	[tilespmem:v5+s3+$0x0] =	vst.idx.add.s32.msk $0xffff, v2  }
0x52: {  	s19 =	sand.u32 @!p0 $0x300, s19;
	s20 =	sand.u32 @!p0 $0x7C0000, s20;
	[tilespmem:v4+s3+$0x0] =	vst.idx.add.s32.msk $0xffff, v2  }
0x53: {  	s31 =	simm.s32 $0xC040;
	s19 =	sor.u32 @!p0 s20, s19;
	[tilespmem:v3+s3+$0x0] =	vst.idx.add.s32.msk $0xffff, v2  }
0x54: {  	s21 =	simm.s32 @!p0 $0x400;
	s19 =	sor.u32 @!p0 s4, s19;
	_ =	swait.ge [sflag:s15], $0x4000  }
0x55: {  	s22 =	simm.s32 @!p0 $0x8000;
	s19 =	sshrl.u32 @!p0 s19, $0x3;
	[sflag:s15] =	ssyncset.done $0x0  }
0x56: {  	s20 =	simm.s32 @!p0 $0x80;
	s19 =	sadd.s32 @!p0 s1, s19;
	[sflag:s15] =	ssyncadd.s32 $0xFFFFC000  }
0x57: {  	[tilespmem:s22], [sflag:$0x1] =	stream.strided.gather @!p0 [hbm4b:s19+s20], $0x4000, s21, s20, $0x38;
	[tilespmem:$0x10000] =	vst v63  }
0x58: {  	v3 =	vld [tilespmem:s31+$0x30]  }
0x59: {  	v5 =	vld [tilespmem:s31+$0xFFFFFFE0]  }
0x5a: {  	v6 =	vld [tilespmem:s31+$0x0]  }
0x5b: {  	v4 =	vld [tilespmem:s31+$0xFFFFFFC0]  }
0x5c: {  	v8 =	vld [tilespmem:s31+$0x20]  }
0x5d: {  	v9 =	vld [tilespmem:s31+$0xFFFFFFF0];
	_ =	sdelay $0x1  }
0x5e: {  	v7 =	vshra.s32 v5, $0x1F;
	v10 =	vshra.s32 v6, $0x1F;
	v11 =	vshra.s32 v3, $0x1F  }
0x5f: {  	v7 =	vand.u32 $0x7FE00000, v7;
	v12 =	vand.u32 $0x7FE00000, v10;
	v10 =	vshra.s32 v4, $0x1F  }
0x60: {  	v11 =	vand.u32 $0x7FE00000, v11;
	v7 =	vxor.u32 v5, v7;
	v5 =	vld [tilespmem:s31+$0x10];
	v6 =	vxor.u32 v6, v12  }
0x61: {  	v12 =	vshra.s32 v8, $0x1F;
	v3 =	vxor.u32 v3, v11;
	v11 =	vshra.s32 v9, $0x1F  }
0x62: {  	v6 =	vshrl.u32 v6, $0x11;
	v12 =	vand.u32 $0x7FE00000, v12;
	v3 =	vshrl.u32 v3, $0x11  }
0x63: {  	v6 =	vand.u32 $0x7FF0, v6;
	v12 =	vxor.u32 v8, v12;
	v13 =	vand.u32 $0x7FF0, v3;
	v3 =	vld [tilespmem:s31+$0xFFFFFFD0]  }
0x64: {  	v8 =	vxor.u32 v1, v6;
	v6 =	vand.u32 $0x7FE00000, v11;
	v11 =	vshrl.u32 v12, $0x11  }
0x65: {  	s19 =	simm.s32 $0x0;
	s20 =	simm.s32 $0xC0C0;
	v9 =	vxor.u32 v9, v6;
	v6 =	vxor.u32 v1, v13;
	v12 =	vshra.s32 v5, $0x1F  }
.LBB2_7:
0x66: {  	v13 =	vld [tilespmem:s20+$0x30];
	s19 =	sadd.s32 $0x80, s19;
	v10 =	vand.u32 $0x7FE00000, v10;
	v7 =	vshrl.u32 v7, $0x11;
	v12 =	vand.u32 $0x7FE00000, v12  }
0x67: {  	v14 =	vld [tilespmem:s20+$0xFFFFFFE0];
	p0 =	slt.u32 s19, $0x3F80;
	v4 =	vxor.u32 v4, v10;
	v7 =	vand.u32 $0x7FF0, v7;
	v5 =	vxor.u32 v5, v12  }
0x68: {  	v10 =	vshra.s32 v3, $0x1F;
	v12 =	vld [tilespmem:s20+$0x0];
	v15 =	vxor.u32 v1, v7;
	v5 =	vshrl.u32 v5, $0x11  }
0x69: {  	v7 =	vand.u32 $0x7FE00000, v10;
	[tilespmem:v8+s3+$0x0] =	vst.idx.add.s32.msk $0xffff, v2;
	v5 =	vand.u32 $0x7FF0, v5;
	v8 =	vand.u32 $0x7FF0, v11  }
0x6a: {  	v10 =	vshrl.u32 v4, $0x11;
	v11 =	vld [tilespmem:s20+$0x20];
	v16 =	vxor.u32 v1, v5;
	v8 =	vxor.u32 v1, v8  }
0x6b: {  	v9 =	vshrl.u32 v9, $0x11;
	v7 =	vxor.u32 v3, v7;
	v5 =	vand.u32 $0x7FF0, v10;
	v4 =	vld [tilespmem:s20+$0xFFFFFFC0]  }
0x6c: {  	v17 =	vxor.u32 v1, v5;
	v5 =	vand.u32 $0x7FF0, v9;
	v3 =	vld [tilespmem:s20+$0xFFFFFFD0];
	v10 =	vshra.s32 v14, $0x1F  }
0x6d: {  	v7 =	vshrl.u32 v7, $0x11;
	v18 =	vxor.u32 v1, v5;
	v9 =	vand.u32 $0x7FE00000, v10;
	[tilespmem:v6+s3+$0x0] =	vst.idx.add.s32.msk $0xffff, v2  }
0x6e: {  	v19 =	vshra.s32 v13, $0x1F;
	v5 =	vshra.s32 v12, $0x1F;
	v10 =	vand.u32 $0x7FF0, v7;
	v6 =	vld [tilespmem:s20+$0xFFFFFFF0]  }
0x6f: {  	v7 =	vxor.u32 v14, v9;
	v9 =	vand.u32 $0x7FE00000, v5;
	v14 =	vxor.u32 v1, v10;
	v5 =	vld [tilespmem:s20+$0x10]  }
0x70: {  	v9 =	vxor.u32 v12, v9;
	v12 =	vshra.s32 v11, $0x1F;
	v10 =	vshra.s32 v4, $0x1F;
	[tilespmem:v8+s3+$0x0] =	vst.idx.add.s32.msk $0xffff, v2  }
.Ltmp2:
0x71: {  	v8 =	vshrl.u32 v9, $0x11;
	v9 =	vand.u32 $0x7FE00000, v12;
	v12 =	vand.u32 $0x7FE00000, v19;
	[tilespmem:v15+s3+$0x0] =	vst.idx.add.s32.msk $0xffff, v2;
	(pc) =	sbr.rel @p0 .LBB2_7-.Ltmp2, $4  }
0x72: {  	v8 =	vand.u32 $0x7FF0, v8;
	v9 =	vxor.u32 v11, v9;
	v11 =	vxor.u32 v13, v12;
	[tilespmem:v16+s3+$0x0] =	vst.idx.add.s32.msk $0xffff, v2  }
0x73: {  	v8 =	vxor.u32 v1, v8;
	v13 =	vshrl.u32 v11, $0x11;
	v12 =	vshra.s32 v6, $0x1F;
	[tilespmem:v17+s3+$0x0] =	vst.idx.add.s32.msk $0xffff, v2  }
0x74: {  	v11 =	vshrl.u32 v9, $0x11;
	v13 =	vand.u32 $0x7FF0, v13;
	v12 =	vand.u32 $0x7FE00000, v12;
	[tilespmem:v14+s3+$0x0] =	vst.idx.add.s32.msk $0xffff, v2  }
0x75: {  	s20 =	sadd.s32 $0x80, s20;
	v9 =	vxor.u32 v6, v12;
	v12 =	vshra.s32 v5, $0x1F;
	v6 =	vxor.u32 v1, v13;
	[tilespmem:v18+s3+$0x0] =	vst.idx.add.s32.msk $0xffff, v2  }
0x76: {  	_ = 	snop  }
0x77: {  	v10 =	vand.u32 $0x7FE00000, v10;
	v7 =	vshrl.u32 v7, $0x11;
	v12 =	vand.u32 $0x7FE00000, v12  }
0x78: {  	v61 =	vshra.s32 v3, $0x1F;
	v11 =	vand.u32 $0x7FF0, v11;
	v62 =	vshrl.u32 v9, $0x11  }
0x79: {  	v4 =	vxor.u32 v4, v10;
	v7 =	vand.u32 $0x7FF0, v7;
	v5 =	vxor.u32 v5, v12  }
0x7a: {  	[tilespmem:v8+s3+$0x0] =	vst.idx.add.s32.msk $0xffff, v2;
	v10 =	vand.u32 $0x7FE00000, v61;
	v11 =	vxor.u32 v1, v11;
	v8 =	vand.u32 $0x7FF0, v62  }
0x7b: {  	v7 =	vxor.u32 v1, v7;
	v5 =	vshrl.u32 v5, $0x11;
	v4 =	vshrl.u32 v4, $0x11  }
0x7c: {  	v3 =	vxor.u32 v3, v10;
	v63 =	vxor.u32 v1, v8;
	v5 =	vand.u32 $0x7FF0, v5  }
0x7d: {  	v4 =	vand.u32 $0x7FF0, v4;
	v3 =	vshrl.u32 v3, $0x11;
	v5 =	vxor.u32 v1, v5  }
0x7e: {  	[tilespmem:v6+s3+$0x0] =	vst.idx.add.s32.msk $0xffff, v2;
	s18 =	sadd.s32 $0x1, s18;
	v4 =	vxor.u32 v1, v4;
	v3 =	vand.u32 $0x7FF0, v3  }
0x7f: {  	p0 =	sne.s32 s18, $0x4;
	v3 =	vxor.u32 v1, v3;
	[tilespmem:v11+s3+$0x0] =	vst.idx.add.s32.msk $0xffff, v2  }
.Ltmp3:
0x80: {  	[tilespmem:v7+s3+$0x0] =	vst.idx.add.s32.msk $0xffff, v2;
	(pc) =	sbr.rel @p0 .LBB2_4-.Ltmp3, $4  }
0x81: {  	[tilespmem:v63+s3+$0x0] =	vst.idx.add.s32.msk $0xffff, v2  }
0x82: {  	[tilespmem:v5+s3+$0x0] =	vst.idx.add.s32.msk $0xffff, v2  }
0x83: {  	[tilespmem:v4+s3+$0x0] =	vst.idx.add.s32.msk $0xffff, v2  }
0x84: {  	[tilespmem:v3+s3+$0x0] =	vst.idx.add.s32.msk $0xffff, v2  }
0x85: {  	s17 =	sadd.s32 $0x1, s17  }
0x86: {  	p0 =	sne.s32 s17, s9  }
.Ltmp4:
0x87: {  	_ = 	snop;
	(pc) =	sbr.rel @p0 .LBB2_1-.Ltmp4, $4  }
0x88: {  	[hbm4b:s8+s10] =	stream.strided.scatter [tilespmem:s3], [sflag:$0x3], $0x8000, s11, s10, $0x38;
	[tilespmem:$0x10000] =	vst v63  }
0x89: {  	_ =	swait.ge [sflag:s16], $0x8000  }
0x8a: {  	[sflag:s16] =	ssyncset.done $0x0  }
0x8b: {  	[sflag:s16] =	ssyncadd.s32 $0xFFFF8000  }
0x8c: {  	_ =	sfence.sel $0x180000  }
0x8d: {  	[bflag:$0x0] =	sbarrier.arrive $0xFFFF  }
0x8e: {  	p0 =	sne.s32 s2, $0x0;
	_ =	strace $0x90000047  }
0x8f: {  	s0 =	sadd.s32 @!p0 $0x100000, s0;
	[bflag:$0x2] =	sbarrier.arrive $0xFFFF  }
0x90: {  	[sflag:s0] =	ssyncadd.tile.s32 @!p0 $0x1;
	_ =	shalt  }
.Lfunc_end2:
_tile_overlayer_lowered:
.L_overlay_start_2:
0x91: {  	(tag) =	ssettag $0x2  }
0x92: {  	s0 =	rddreg [dreg:$0x0];
	s2 =	stileid.u32  }
0x93: {  	s1 =	rddreg [dreg:$0x1];
	p0 =	sne.s32 s2, $0x0  }
0x94: {  	s3 =	rddreg [dreg:$0x2];
	[bflag:$0x3] =	sbarrier.arrive $0xFFFF;
	s2 =	simm.s32 @!p0 $0x1C03  }
0x95: {  	[timem:s3], [sflag:s2] =	dma.local @!p0 [hbm:s0], s1  }
0x96: {  	s0 =	simm.s32 @!p0 $0x3  }
0x97: {  	_ =	swait.ge @!p0 [sflag:s0], s1  }
0x98: {  	s1 =	ssub.s32 @!p0 $0x0, s1;
	[sflag:s0] =	ssyncset.done @!p0 $0x0  }
0x99: {  	[sflag:s0] =	ssyncadd.s32 @!p0 s1  }
0x9a: {  	[bflag:$0x3] =	sbarrier.arrive $0xFFFF  }
0x9b: {  	_ =	shalt  }

</sc_bundles>
